<compile_context>
chip_gen: v7x
topology: tpu7x:2x2x1
jax: 0.10.2.dev20260603
libtpu: 0.0.44.dev20260713+nightly
codegen_flags: <defaults>
</compile_context>

<pallas_src>
import functools

import jax
import jax.numpy as jnp
from jax import lax
from jax.experimental import pallas as pl
from jax.experimental.pallas import tpu as pltpu
from jax.experimental.pallas import tpu_sc as plsc

N = 500000
B = 8
C = 64
R = 2000
NCHUNKS = N // R
NW = 32
GROUPS = R // 16

WN = 16384
GRID = (N + WN - 1) // WN

_mesh = plsc.VectorSubcoreMesh(core_axis_name="c", subcore_axis_name="s")


@functools.partial(
    pl.kernel,
    out_type=(
        jax.ShapeDtypeStruct((N,), jnp.float32),
    ),
    mesh=_mesh,
    compiler_params=pltpu.CompilerParams(needs_layout_passes=False),
    scratch_types=[
        pltpu.VMEM((B * 16,), jnp.float32),
        pltpu.VMEM((R,), jnp.float32),
        pltpu.VMEM((R,), jnp.float32),
        pltpu.VMEM((R,), jnp.float32),
        pltpu.VMEM((R,), jnp.float32),
        pltpu.VMEM((R,), jnp.float32),
        pltpu.VMEM((R,), jnp.float32),
        pltpu.VMEM((R,), jnp.int32),
        pltpu.VMEM((R,), jnp.int32),
        pltpu.VMEM((R,), jnp.float32),
        pltpu.VMEM((R,), jnp.float32),
        pltpu.SemaphoreType.DMA((2,)),
    ],
)
def _pose_project_sc(trans_h, x_h, y_h, z_h, binds_h, omask_h,
                     trans_v, x_v0, x_v1, y_v0, y_v1, z_v0, z_v1,
                     b_v0, b_v1, m_v0, m_v1, sem_in):
    wid = lax.axis_index("c") * 16 + lax.axis_index("s")
    pltpu.sync_copy(trans_h, trans_v)
    xs = (x_v0, x_v1)
    ys = (y_v0, y_v1)
    zs = (z_v0, z_v1)
    bs = (b_v0, b_v1)
    ms = (m_v0, m_v1)

    nchunks_w = (NCHUNKS - wid + NW - 1) // NW

    def start_in(c, s):
        row0 = (wid + c * NW) * R
        sl = pl.ds(row0, R)
        pltpu.async_copy(x_h.at[sl], xs[s], sem_in.at[s])
        pltpu.async_copy(y_h.at[sl], ys[s], sem_in.at[s])
        pltpu.async_copy(z_h.at[sl], zs[s], sem_in.at[s])
        pltpu.async_copy(binds_h.at[sl], bs[s], sem_in.at[s])

    def wait_in(s):
        pltpu.make_async_copy(x_h.at[pl.ds(0, R)], xs[s], sem_in.at[s]).wait()
        pltpu.make_async_copy(y_h.at[pl.ds(0, R)], ys[s], sem_in.at[s]).wait()
        pltpu.make_async_copy(z_h.at[pl.ds(0, R)], zs[s], sem_in.at[s]).wait()
        pltpu.make_async_copy(binds_h.at[pl.ds(0, R)], bs[s],
                              sem_in.at[s]).wait()

    def compute(c, s):
        def group(g, carry2):
            sl = pl.ds(g * 16, 16)
            b = bs[s][sl]
            x = xs[s][sl]
            y = ys[s][sl]
            z = zs[s][sl]
            tb = b * 16

            def trow(i4):
                t0 = plsc.load_gather(trans_v, [tb + i4])
                t1 = plsc.load_gather(trans_v, [tb + (i4 + 1)])
                t2 = plsc.load_gather(trans_v, [tb + (i4 + 2)])
                t3 = plsc.load_gather(trans_v, [tb + (i4 + 3)])
                return t0 * x + t1 * y + t2 * z + t3

            h0 = trow(0)
            h1 = trow(4)
            h2 = trow(8)
            v0 = h0 * 16.0
            v1 = h1 * 16.0
            v2 = h2 * 16.0
            m = ((v0 >= 0.0) & (v0 < 96.0) & (v1 >= 0.0) & (v1 < 96.0)
                 & (v2 >= 0.0) & (v2 < 48.0))
            mf = jnp.where(m, 1.0, 0.0).astype(jnp.float32)
            ms[s][sl] = mf
            return carry2

        lax.fori_loop(0, GROUPS, group, 0)
        row0 = (wid + c * NW) * R
        pltpu.sync_copy(ms[s], omask_h.at[pl.ds(row0, R)])

    @pl.when(nchunks_w > 0)
    def _prologue():
        start_in(0, 0)

    def chunk_pair(i, carry):
        c0 = i * 2
        c1 = c0 + 1

        @pl.when(c1 < nchunks_w)
        def _s1():
            start_in(c1, 1)

        wait_in(0)
        compute(c0, 0)

        @pl.when(c1 < nchunks_w)
        def _s1b():
            @pl.when(c1 + 1 < nchunks_w)
            def _s0n():
                start_in(c1 + 1, 0)

            wait_in(1)
            compute(c1, 1)

        return carry

    lax.fori_loop(0, (nchunks_w + 1) // 2, chunk_pair, 0)


def _feat_body(trans_ref, binds_ref, x_ref, y_ref, z_ref, ft_ref, o_ref, hc_ref):
    b = binds_ref[...]

    def coef(j):
        v = jnp.full((WN,), trans_ref[7, j], jnp.float32)
        for k in range(6, -1, -1):
            v = jnp.where(b == k, trans_ref[k, j], v)
        return v

    x = x_ref[...]
    y = y_ref[...]
    z = z_ref[...]
    h0 = coef(0) * x + coef(1) * y + coef(2) * z + coef(3)
    h1 = coef(4) * x + coef(5) * y + coef(6) * z + coef(7)
    h2 = coef(8) * x + coef(9) * y + coef(10) * z + coef(11)
    v0 = h0 * 16.0
    v1 = h1 * 16.0
    v2 = h2 * 16.0
    m = ((v0 >= 0.0) & (v0 < 96.0) & (v1 >= 0.0) & (v1 < 96.0)
         & (v2 >= 0.0) & (v2 < 48.0))
    mf = jnp.where(m, 1.0, 0.0).astype(jnp.float32)
    o_ref[...] = ft_ref[...] * mf[None, :]
    hc_ref[0:1, :] = h0[None, :]
    hc_ref[1:2, :] = h1[None, :]
    hc_ref[2:3, :] = h2[None, :]


_feat_call = pl.pallas_call(
    _feat_body,
    out_shape=(
        jax.ShapeDtypeStruct((C, N), jnp.float32),
        jax.ShapeDtypeStruct((3, N), jnp.float32),
    ),
    grid=(GRID,),
    in_specs=[
        pl.BlockSpec(memory_space=pltpu.SMEM),
        pl.BlockSpec((WN,), lambda i: (i,)),
        pl.BlockSpec((WN,), lambda i: (i,)),
        pl.BlockSpec((WN,), lambda i: (i,)),
        pl.BlockSpec((WN,), lambda i: (i,)),
        pl.BlockSpec((C, WN), lambda i: (0, i)),
    ],
    out_specs=(
        pl.BlockSpec((C, WN), lambda i: (0, i)),
        pl.BlockSpec((3, WN), lambda i: (0, i)),
    ),
    compiler_params=pltpu.CompilerParams(
        dimension_semantics=("arbitrary",)),
)


def _inv4(m):
    a = [[m[:, i, j] for j in range(4)] for i in range(4)]

    def det3(r, c):
        (i0, i1, i2) = [i for i in range(4) if i != r]
        (j0, j1, j2) = [j for j in range(4) if j != c]
        return (a[i0][j0] * (a[i1][j1] * a[i2][j2] - a[i1][j2] * a[i2][j1])
                - a[i0][j1] * (a[i1][j0] * a[i2][j2] - a[i1][j2] * a[i2][j0])
                + a[i0][j2] * (a[i1][j0] * a[i2][j1] - a[i1][j1] * a[i2][j0]))

    cof = [[((-1.0) ** (i + j)) * det3(i, j) for j in range(4)]
           for i in range(4)]
    det = (a[0][0] * cof[0][0] + a[0][1] * cof[0][1]
           + a[0][2] * cof[0][2] + a[0][3] * cof[0][3])
    inv = jnp.stack([jnp.stack([cof[j][i] for j in range(4)], axis=-1)
                     for i in range(4)], axis=-2)
    return inv / det[:, None, None]


def kernel(coords, batch_inds, features, sdf, occupancy, historical_pose, current_pose):
    transform = jnp.einsum("bij,bjk->bik", _inv4(current_pose),
                           historical_pose)
    trans_flat = transform.reshape(B * 16)
    binds = batch_inds.astype(jnp.int32)
    x = coords[:, 0]
    y = coords[:, 1]
    z = coords[:, 2]

    (maskf,) = _pose_project_sc(trans_flat, x, y, z, binds)

    fto, hc4 = _feat_call(trans_flat.reshape(B, 16), binds, x, y, z,
                          features.T)

    maskb = maskf.astype(bool)
    proj_sdf = jnp.where(maskb[:, None], sdf, jnp.zeros_like(sdf))
    proj_occ = jnp.where(maskb[:, None], occupancy, jnp.zeros_like(occupancy))
    hc = hc4.T
    return (fto.T, proj_sdf, proj_occ, hc, maskb)

# --- scband reference (transcript-rebuilt; emitter-appended) ---
"""Pipeline reference for scband-pose-projection-40114994545037 (READ-ONLY COPY).

The authoritative reference and input builder live on the scoring server;
editing this copy changes nothing except your own understanding.
"""

import jax, jax.numpy as jnp
import numpy as np

VOXEL_SIZE = 0.0625
CROP = (96, 96, 48)
N = 500000
B = 8
C = 64


def setup_inputs(seed: int = 0) -> dict:
    key = jax.random.key(seed)
    k1, k2, k3, k4, k5, k6, k7 = jax.random.split(key, 7)
    coords = jax.random.uniform(k1, (N, 3), dtype=jnp.float32, minval=0.0, maxval=6.0)
    batch_inds = jax.random.randint(k2, (N,), 0, B, dtype=jnp.int64 if jax.config.read('jax_enable_x64') else jnp.int32)
    features = jax.random.normal(k3, (N, C), dtype=jnp.float32)
    sdf = jax.random.normal(k4, (N, 1), dtype=jnp.float32)
    occupancy = jax.random.uniform(k5, (N, 1), dtype=jnp.float32)
    eye = jnp.eye(4, dtype=jnp.float32)[None]
    historical_pose = eye + 0.05 * jax.random.normal(k6, (B, 4, 4), dtype=jnp.float32)
    current_pose = eye + 0.05 * jax.random.normal(k7, (B, 4, 4), dtype=jnp.float32)
    return {
        'coords': coords,
        'batch_inds': batch_inds,
        'features': features,
        'sdf': sdf,
        'occupancy': occupancy,
        'historical_pose': historical_pose,
        'current_pose': current_pose,
    }


def reference(coords, batch_inds, features, sdf, occupancy, historical_pose, current_pose):
    # compute_coordinate_mapping (vectorized over the per-batch python loop)
    inv_current_pose = jnp.linalg.inv(current_pose)
    transform = jnp.einsum('bij,bjk->bik', inv_current_pose, historical_pose)  # [B,4,4]
    ones = jnp.ones((coords.shape[0], 1), dtype=coords.dtype)
    coords_h = jnp.concatenate([coords, ones], axis=-1)  # [N,4]
    per_voxel_T = jnp.take(transform, batch_inds, axis=0)  # gather [N,4,4]
    historical_coords_h = jnp.einsum('nij,nj->ni', per_voxel_T, coords_h)  # == coords_h @ T.t() rowwise
    historical_coords = historical_coords_h[:, :3]
    hv = historical_coords / VOXEL_SIZE
    mask = ((hv[:, 0] >= 0) & (hv[:, 0] < CROP[0])
            & (hv[:, 1] >= 0) & (hv[:, 1] < CROP[1])
            & (hv[:, 2] >= 0) & (hv[:, 2] < CROP[2]))
    # project_sparse_features: projected[valid_idx] = features[valid_idx]
    # (scatter-overwrite of gathered rows into a zero buffer == masked copy)
    proj_features = jnp.where(mask[:, None], features, jnp.zeros_like(features))
    proj_sdf = jnp.where(mask[:, None], sdf, jnp.zeros_like(sdf))
    proj_occupancy = jnp.where(mask[:, None], occupancy, jnp.zeros_like(occupancy))
    return proj_features, proj_sdf, proj_occupancy, historical_coords, mask

if __name__ == "__main__":
    import jax
    _d = setup_inputs()
    print(jax.jit(kernel)(*tuple(_d.values())))

</pallas_src>

<mosaic_0001>
#map = affine_map<(d0, d1) -> (0)>
module attributes {stable_mosaic.version = 14 : i64} {
  func.func @_pose_project_sc(%arg0: i32, %arg1: i32, %arg2: memref<128xf32, #tpu.memory_space<hbm>>, %arg3: memref<500000xf32, #tpu.memory_space<hbm>>, %arg4: memref<500000xf32, #tpu.memory_space<hbm>>, %arg5: memref<500000xf32, #tpu.memory_space<hbm>>, %arg6: memref<500000xi32, #tpu.memory_space<hbm>>, %arg7: memref<500000xf32, #tpu.memory_space<hbm>>, %arg8: memref<128xf32, #tpu.memory_space<vmem>>, %arg9: memref<2000xf32, #tpu.memory_space<vmem>>, %arg10: memref<2000xf32, #tpu.memory_space<vmem>>, %arg11: memref<2000xf32, #tpu.memory_space<vmem>>, %arg12: memref<2000xf32, #tpu.memory_space<vmem>>, %arg13: memref<2000xf32, #tpu.memory_space<vmem>>, %arg14: memref<2000xf32, #tpu.memory_space<vmem>>, %arg15: memref<2000xi32, #tpu.memory_space<vmem>>, %arg16: memref<2000xi32, #tpu.memory_space<vmem>>, %arg17: memref<2000xf32, #tpu.memory_space<vmem>>, %arg18: memref<2000xf32, #tpu.memory_space<vmem>>, %arg19: memref<2x!tpu.dma_semaphore, #tpu.memory_space<semaphore_mem>>) attributes {dimension_semantics = [#tpu.dimension_semantics<core_parallel>, #tpu.dimension_semantics<subcore_parallel>], iteration_bounds = array<i64: 2, 16>, scalar_prefetch = 0 : i64, scratch_operands = 12 : i64, tpu.core_type = #tpu.core_type<sc_vector_subcore>, window_params = [{transform_indices = #map}, {transform_indices = #map}, {transform_indices = #map}, {transform_indices = #map}, {transform_indices = #map}, {transform_indices = #map}]} {
    %mul3A = arith.constant 16 : i32
    %mul3A_0 = arith.muli %arg0, %mul3A : i32
    %add3A = arith.addi %mul3A_0, %arg1 : i32
    "tpu.region"() ({
      %run_scoped3A = tpu.sem_alloc : memref<!tpu.dma_semaphore, #tpu.memory_space<semaphore_mem>>
      tpu.enqueue_dma source(%arg2 : memref<128xf32, #tpu.memory_space<hbm>>) target(%arg8 : memref<128xf32, #tpu.memory_space<vmem>>) target_semaphore(%run_scoped3A : memref<!tpu.dma_semaphore, #tpu.memory_space<semaphore_mem>>)
      tpu.wait_dma2 semaphore(%run_scoped3A : memref<!tpu.dma_semaphore, #tpu.memory_space<semaphore_mem>>) src(%arg2 : memref<128xf32, #tpu.memory_space<hbm>>) dst(%arg8 : memref<128xf32, #tpu.memory_space<vmem>>)
      tpu.yield
    }) : () -> ()
    %sub3A = arith.constant 250 : i32
    %sub3A_1 = arith.subi %sub3A, %add3A : i32
    %add3A_2 = arith.constant 32 : i32
    %add3A_3 = arith.addi %sub3A_1, %add3A_2 : i32
    %sub3A_4 = arith.constant 1 : i32
    %sub3A_5 = arith.subi %add3A_3, %sub3A_4 : i32
    %jit3A = arith.constant 32 : i32
    %div3A = arith.divsi %sub3A_5, %jit3A : i32
    %sign3A = arith.constant 0 : i32
    %sign3A_6 = arith.cmpi sgt, %sub3A_5, %sign3A : i32
    %sign3A_7 = arith.extui %sign3A_6 : i1 to i32
    %sign3A_8 = arith.constant 0 : i32
    %sign3A_9 = arith.cmpi slt, %sub3A_5, %sign3A_8 : i32
    %sign3A_10 = arith.extui %sign3A_9 : i1 to i32
    %sign3A_11 = arith.subi %sign3A_7, %sign3A_10 : i32
    %sign3A_12 = arith.constant 0 : i32
    %sign3A_13 = arith.cmpi sgt, %jit3A, %sign3A_12 : i32
    %sign3A_14 = arith.extui %sign3A_13 : i1 to i32
    %sign3A_15 = arith.constant 0 : i32
    %sign3A_16 = arith.cmpi slt, %jit3A, %sign3A_15 : i32
    %sign3A_17 = arith.extui %sign3A_16 : i1 to i32
    %sign3A_18 = arith.subi %sign3A_14, %sign3A_17 : i32
    %ne3A = arith.cmpi ne, %sign3A_11, %sign3A_18 : i32
    %rem3A = arith.remsi %sub3A_5, %jit3A : i32
    %ne3A_19 = arith.constant 0 : i32
    %ne3A_20 = arith.cmpi ne, %rem3A, %ne3A_19 : i32
    %and3A = arith.andi %ne3A, %ne3A_20 : i1
    %sub3A_21 = arith.constant 1 : i32
    %sub3A_22 = arith.subi %div3A, %sub3A_21 : i32
    %select_n3A = arith.select %and3A, %sub3A_22, %div3A : i32
    %gt3A = arith.constant 0 : i32
    %gt3A_23 = arith.cmpi sgt, %select_n3A, %gt3A : i32
    %convert_element_type3A = arith.extui %gt3A_23 : i1 to i32
    %cond3A = arith.constant 0 : i32
    %cond3A_24 = arith.cmpi ne, %convert_element_type3A, %cond3A : i32
    scf.if %cond3A_24 {
      %add3A_60 = arith.constant 0 : i32
      %add3A_61 = arith.addi %add3A, %add3A_60 : i32
      %mul3A_62 = arith.constant 2000 : i32
      %mul3A_63 = arith.muli %add3A_61, %mul3A_62 : i32
      %dma_start3A = arith.constant 0 : i32
      %dma_start3A_64 = tpu.memref_slice %arg3[%mul3A_63] : memref<500000xf32, #tpu.memory_space<hbm>> -> memref<2000xf32, #tpu.memory_space<hbm>>
      %dma_start3A_65 = tpu.memref_slice %arg19[%dma_start3A] : memref<2x!tpu.dma_semaphore, #tpu.memory_space<semaphore_mem>> -> memref<1x!tpu.dma_semaphore, #tpu.memory_space<semaphore_mem>>
      %dma_start3A_66 = tpu.memref_squeeze %dma_start3A_65 : memref<1x!tpu.dma_semaphore, #tpu.memory_space<semaphore_mem>> -> memref<!tpu.dma_semaphore, #tpu.memory_space<semaphore_mem>>
      %dma_start3A_67 = tpu.memref_slice %arg3[%mul3A_63] : memref<500000xf32, #tpu.memory_space<hbm>> -> memref<2000xf32, #tpu.memory_space<hbm>>
      tpu.enqueue_dma source(%dma_start3A_67 : memref<2000xf32, #tpu.memory_space<hbm>>) target(%arg9 : memref<2000xf32, #tpu.memory_space<vmem>>) target_semaphore(%dma_start3A_66 : memref<!tpu.dma_semaphore, #tpu.memory_space<semaphore_mem>>)
      %dma_start3A_68 = arith.constant 0 : i32
      %dma_start3A_69 = tpu.memref_slice %arg4[%mul3A_63] : memref<500000xf32, #tpu.memory_space<hbm>> -> memref<2000xf32, #tpu.memory_space<hbm>>
      %dma_start3A_70 = tpu.memref_slice %arg19[%dma_start3A_68] : memref<2x!tpu.dma_semaphore, #tpu.memory_space<semaphore_mem>> -> memref<1x!tpu.dma_semaphore, #tpu.memory_space<semaphore_mem>>
      %dma_start3A_71 = tpu.memref_squeeze %dma_start3A_70 : memref<1x!tpu.dma_semaphore, #tpu.memory_space<semaphore_mem>> -> memref<!tpu.dma_semaphore, #tpu.memory_space<semaphore_mem>>
      %dma_start3A_72 = tpu.memref_slice %arg4[%mul3A_63] : memref<500000xf32, #tpu.memory_space<hbm>> -> memref<2000xf32, #tpu.memory_space<hbm>>
      tpu.enqueue_dma source(%dma_start3A_72 : memref<2000xf32, #tpu.memory_space<hbm>>) target(%arg11 : memref<2000xf32, #tpu.memory_space<vmem>>) target_semaphore(%dma_start3A_71 : memref<!tpu.dma_semaphore, #tpu.memory_space<semaphore_mem>>)
      %dma_start3A_73 = arith.constant 0 : i32
      %dma_start3A_74 = tpu.memref_slice %arg5[%mul3A_63] : memref<500000xf32, #tpu.memory_space<hbm>> -> memref<2000xf32, #tpu.memory_space<hbm>>
      %dma_start3A_75 = tpu.memref_slice %arg19[%dma_start3A_73] : memref<2x!tpu.dma_semaphore, #tpu.memory_space<semaphore_mem>> -> memref<1x!tpu.dma_semaphore, #tpu.memory_space<semaphore_mem>>
      %dma_start3A_76 = tpu.memref_squeeze %dma_start3A_75 : memref<1x!tpu.dma_semaphore, #tpu.memory_space<semaphore_mem>> -> memref<!tpu.dma_semaphore, #tpu.memory_space<semaphore_mem>>
      %dma_start3A_77 = tpu.memref_slice %arg5[%mul3A_63] : memref<500000xf32, #tpu.memory_space<hbm>> -> memref<2000xf32, #tpu.memory_space<hbm>>
      tpu.enqueue_dma source(%dma_start3A_77 : memref<2000xf32, #tpu.memory_space<hbm>>) target(%arg13 : memref<2000xf32, #tpu.memory_space<vmem>>) target_semaphore(%dma_start3A_76 : memref<!tpu.dma_semaphore, #tpu.memory_space<semaphore_mem>>)
      %dma_start3A_78 = arith.constant 0 : i32
      %dma_start3A_79 = tpu.memref_slice %arg6[%mul3A_63] : memref<500000xi32, #tpu.memory_space<hbm>> -> memref<2000xi32, #tpu.memory_space<hbm>>
      %dma_start3A_80 = tpu.memref_slice %arg19[%dma_start3A_78] : memref<2x!tpu.dma_semaphore, #tpu.memory_space<semaphore_mem>> -> memref<1x!tpu.dma_semaphore, #tpu.memory_space<semaphore_mem>>
      %dma_start3A_81 = tpu.memref_squeeze %dma_start3A_80 : memref<1x!tpu.dma_semaphore, #tpu.memory_space<semaphore_mem>> -> memref<!tpu.dma_semaphore, #tpu.memory_space<semaphore_mem>>
      %dma_start3A_82 = tpu.memref_slice %arg6[%mul3A_63] : memref<500000xi32, #tpu.memory_space<hbm>> -> memref<2000xi32, #tpu.memory_space<hbm>>
      tpu.enqueue_dma source(%dma_start3A_82 : memref<2000xi32, #tpu.memory_space<hbm>>) target(%arg15 : memref<2000xi32, #tpu.memory_space<vmem>>) target_semaphore(%dma_start3A_81 : memref<!tpu.dma_semaphore, #tpu.memory_space<semaphore_mem>>)
    } else {
    }
    %add3A_25 = arith.constant 1 : i32
    %add3A_26 = arith.addi %select_n3A, %add3A_25 : i32
    %jit3A_27 = arith.constant 2 : i32
    %div3A_28 = arith.divsi %add3A_26, %jit3A_27 : i32
    %sign3A_29 = arith.constant 0 : i32
    %sign3A_30 = arith.cmpi sgt, %add3A_26, %sign3A_29 : i32
    %sign3A_31 = arith.extui %sign3A_30 : i1 to i32
    %sign3A_32 = arith.constant 0 : i32
    %sign3A_33 = arith.cmpi slt, %add3A_26, %sign3A_32 : i32
    %sign3A_34 = arith.extui %sign3A_33 : i1 to i32
    %sign3A_35 = arith.subi %sign3A_31, %sign3A_34 : i32
    %sign3A_36 = arith.constant 0 : i32
    %sign3A_37 = arith.cmpi sgt, %jit3A_27, %sign3A_36 : i32
    %sign3A_38 = arith.extui %sign3A_37 : i1 to i32
    %sign3A_39 = arith.constant 0 : i32
    %sign3A_40 = arith.cmpi slt, %jit3A_27, %sign3A_39 : i32
    %sign3A_41 = arith.extui %sign3A_40 : i1 to i32
    %sign3A_42 = arith.subi %sign3A_38, %sign3A_41 : i32
    %ne3A_43 = arith.cmpi ne, %sign3A_35, %sign3A_42 : i32
    %rem3A_44 = arith.remsi %add3A_26, %jit3A_27 : i32
    %ne3A_45 = arith.constant 0 : i32
    %ne3A_46 = arith.cmpi ne, %rem3A_44, %ne3A_45 : i32
    %and3A_47 = arith.andi %ne3A_43, %ne3A_46 : i1
    %sub3A_48 = arith.constant 1 : i32
    %sub3A_49 = arith.subi %div3A_28, %sub3A_48 : i32
    %select_n3A_50 = arith.select %and3A_47, %sub3A_49, %div3A_28 : i32
    %while3A = arith.constant 0 : i32
    %while3A_51 = arith.constant 0 : i32
    %while3A_52 = arith.subi %select_n3A_50, %while3A_51 : i32
    %while3A_53 = arith.addi %while3A_51, %while3A_52 : i32
    %while3A_54 = arith.constant 1 : i32
    %while3A_55 = arith.divsi %while3A_52, %while3A_54 : i32
    %while3A_56 = arith.muli %while3A_55, %while3A_54 : i32
    %while3A_57 = arith.addi %while3A_51, %while3A_56 : i32
    %while3A_58 = arith.constant 1 : i32
    scf.for %while3A_60 = %while3A_51 to %while3A_57 step %while3A_58  : i32 {
      %mul3A_61 = arith.constant 2 : i32
      %mul3A_62 = arith.muli %while3A_60, %mul3A_61 : i32
      %add3A_63 = arith.constant 1 : i32
      %add3A_64 = arith.addi %mul3A_62, %add3A_63 : i32
      %lt3A = arith.cmpi slt, %add3A_64, %select_n3A : i32
      %convert_element_type3A_65 = arith.extui %lt3A : i1 to i32
      %cond3A_66 = arith.constant 0 : i32
      %cond3A_67 = arith.cmpi ne, %convert_element_type3A_65, %cond3A_66 : i32
      scf.if %cond3A_67 {
        %mul3A_109 = arith.constant 32 : i32
        %mul3A_110 = arith.muli %add3A_64, %mul3A_109 : i32
        %add3A_111 = arith.addi %add3A, %mul3A_110 : i32
        %mul3A_112 = arith.constant 2000 : i32
        %mul3A_113 = arith.muli %add3A_111, %mul3A_112 : i32
        %dma_start3A = arith.constant 1 : i32
        %dma_start3A_114 = tpu.memref_slice %arg3[%mul3A_113] : memref<500000xf32, #tpu.memory_space<hbm>> -> memref<2000xf32, #tpu.memory_space<hbm>>
        %dma_start3A_115 = tpu.memref_slice %arg19[%dma_start3A] : memref<2x!tpu.dma_semaphore, #tpu.memory_space<semaphore_mem>> -> memref<1x!tpu.dma_semaphore, #tpu.memory_space<semaphore_mem>>
        %dma_start3A_116 = tpu.memref_squeeze %dma_start3A_115 : memref<1x!tpu.dma_semaphore, #tpu.memory_space<semaphore_mem>> -> memref<!tpu.dma_semaphore, #tpu.memory_space<semaphore_mem>>
        %dma_start3A_117 = tpu.memref_slice %arg3[%mul3A_113] : memref<500000xf32, #tpu.memory_space<hbm>> -> memref<2000xf32, #tpu.memory_space<hbm>>
        tpu.enqueue_dma source(%dma_start3A_117 : memref<2000xf32, #tpu.memory_space<hbm>>) target(%arg10 : memref<2000xf32, #tpu.memory_space<vmem>>) target_semaphore(%dma_start3A_116 : memref<!tpu.dma_semaphore, #tpu.memory_space<semaphore_mem>>)
        %dma_start3A_118 = arith.constant 1 : i32
        %dma_start3A_119 = tpu.memref_slice %arg4[%mul3A_113] : memref<500000xf32, #tpu.memory_space<hbm>> -> memref<2000xf32, #tpu.memory_space<hbm>>
        %dma_start3A_120 = tpu.memref_slice %arg19[%dma_start3A_118] : memref<2x!tpu.dma_semaphore, #tpu.memory_space<semaphore_mem>> -> memref<1x!tpu.dma_semaphore, #tpu.memory_space<semaphore_mem>>
        %dma_start3A_121 = tpu.memref_squeeze %dma_start3A_120 : memref<1x!tpu.dma_semaphore, #tpu.memory_space<semaphore_mem>> -> memref<!tpu.dma_semaphore, #tpu.memory_space<semaphore_mem>>
        %dma_start3A_122 = tpu.memref_slice %arg4[%mul3A_113] : memref<500000xf32, #tpu.memory_space<hbm>> -> memref<2000xf32, #tpu.memory_space<hbm>>
        tpu.enqueue_dma source(%dma_start3A_122 : memref<2000xf32, #tpu.memory_space<hbm>>) target(%arg12 : memref<2000xf32, #tpu.memory_space<vmem>>) target_semaphore(%dma_start3A_121 : memref<!tpu.dma_semaphore, #tpu.memory_space<semaphore_mem>>)
        %dma_start3A_123 = arith.constant 1 : i32
        %dma_start3A_124 = tpu.memref_slice %arg5[%mul3A_113] : memref<500000xf32, #tpu.memory_space<hbm>> -> memref<2000xf32, #tpu.memory_space<hbm>>
        %dma_start3A_125 = tpu.memref_slice %arg19[%dma_start3A_123] : memref<2x!tpu.dma_semaphore, #tpu.memory_space<semaphore_mem>> -> memref<1x!tpu.dma_semaphore, #tpu.memory_space<semaphore_mem>>
        %dma_start3A_126 = tpu.memref_squeeze %dma_start3A_125 : memref<1x!tpu.dma_semaphore, #tpu.memory_space<semaphore_mem>> -> memref<!tpu.dma_semaphore, #tpu.memory_space<semaphore_mem>>
        %dma_start3A_127 = tpu.memref_slice %arg5[%mul3A_113] : memref<500000xf32, #tpu.memory_space<hbm>> -> memref<2000xf32, #tpu.memory_space<hbm>>
        tpu.enqueue_dma source(%dma_start3A_127 : memref<2000xf32, #tpu.memory_space<hbm>>) target(%arg14 : memref<2000xf32, #tpu.memory_space<vmem>>) target_semaphore(%dma_start3A_126 : memref<!tpu.dma_semaphore, #tpu.memory_space<semaphore_mem>>)
        %dma_start3A_128 = arith.constant 1 : i32
        %dma_start3A_129 = tpu.memref_slice %arg6[%mul3A_113] : memref<500000xi32, #tpu.memory_space<hbm>> -> memref<2000xi32, #tpu.memory_space<hbm>>
        %dma_start3A_130 = tpu.memref_slice %arg19[%dma_start3A_128] : memref<2x!tpu.dma_semaphore, #tpu.memory_space<semaphore_mem>> -> memref<1x!tpu.dma_semaphore, #tpu.memory_space<semaphore_mem>>
        %dma_start3A_131 = tpu.memref_squeeze %dma_start3A_130 : memref<1x!tpu.dma_semaphore, #tpu.memory_space<semaphore_mem>> -> memref<!tpu.dma_semaphore, #tpu.memory_space<semaphore_mem>>
        %dma_start3A_132 = tpu.memref_slice %arg6[%mul3A_113] : memref<500000xi32, #tpu.memory_space<hbm>> -> memref<2000xi32, #tpu.memory_space<hbm>>
        tpu.enqueue_dma source(%dma_start3A_132 : memref<2000xi32, #tpu.memory_space<hbm>>) target(%arg16 : memref<2000xi32, #tpu.memory_space<vmem>>) target_semaphore(%dma_start3A_131 : memref<!tpu.dma_semaphore, #tpu.memory_space<semaphore_mem>>)
      } else {
      }
      %dma_wait3A = arith.constant 0 : i32
      %dma_wait3A_68 = arith.constant 0 : i32
      %dma_wait3A_69 = tpu.memref_slice %arg3[%dma_wait3A_68] : memref<500000xf32, #tpu.memory_space<hbm>> -> memref<2000xf32, #tpu.memory_space<hbm>>
      %dma_wait3A_70 = tpu.memref_slice %arg19[%dma_wait3A] : memref<2x!tpu.dma_semaphore, #tpu.memory_space<semaphore_mem>> -> memref<1x!tpu.dma_semaphore, #tpu.memory_space<semaphore_mem>>
      %dma_wait3A_71 = tpu.memref_squeeze %dma_wait3A_70 : memref<1x!tpu.dma_semaphore, #tpu.memory_space<semaphore_mem>> -> memref<!tpu.dma_semaphore, #tpu.memory_space<semaphore_mem>>
      %dma_wait3A_72 = arith.constant 0 : i32
      %dma_wait3A_73 = tpu.memref_slice %arg3[%dma_wait3A_72] : memref<500000xf32, #tpu.memory_space<hbm>> -> memref<2000xf32, #tpu.memory_space<hbm>>
      tpu.wait_dma2 semaphore(%dma_wait3A_71 : memref<!tpu.dma_semaphore, #tpu.memory_space<semaphore_mem>>) src(%dma_wait3A_73 : memref<2000xf32, #tpu.memory_space<hbm>>) dst(%arg9 : memref<2000xf32, #tpu.memory_space<vmem>>)
      %dma_wait3A_74 = arith.constant 0 : i32
      %dma_wait3A_75 = arith.constant 0 : i32
      %dma_wait3A_76 = tpu.memref_slice %arg4[%dma_wait3A_75] : memref<500000xf32, #tpu.memory_space<hbm>> -> memref<2000xf32, #tpu.memory_space<hbm>>
      %dma_wait3A_77 = tpu.memref_slice %arg19[%dma_wait3A_74] : memref<2x!tpu.dma_semaphore, #tpu.memory_space<semaphore_mem>> -> memref<1x!tpu.dma_semaphore, #tpu.memory_space<semaphore_mem>>
      %dma_wait3A_78 = tpu.memref_squeeze %dma_wait3A_77 : memref<1x!tpu.dma_semaphore, #tpu.memory_space<semaphore_mem>> -> memref<!tpu.dma_semaphore, #tpu.memory_space<semaphore_mem>>
      %dma_wait3A_79 = arith.constant 0 : i32
      %dma_wait3A_80 = tpu.memref_slice %arg4[%dma_wait3A_79] : memref<500000xf32, #tpu.memory_space<hbm>> -> memref<2000xf32, #tpu.memory_space<hbm>>
      tpu.wait_dma2 semaphore(%dma_wait3A_78 : memref<!tpu.dma_semaphore, #tpu.memory_space<semaphore_mem>>) src(%dma_wait3A_80 : memref<2000xf32, #tpu.memory_space<hbm>>) dst(%arg11 : memref<2000xf32, #tpu.memory_space<vmem>>)
      %dma_wait3A_81 = arith.constant 0 : i32
      %dma_wait3A_82 = arith.constant 0 : i32
      %dma_wait3A_83 = tpu.memref_slice %arg5[%dma_wait3A_82] : memref<500000xf32, #tpu.memory_space<hbm>> -> memref<2000xf32, #tpu.memory_space<hbm>>
      %dma_wait3A_84 = tpu.memref_slice %arg19[%dma_wait3A_81] : memref<2x!tpu.dma_semaphore, #tpu.memory_space<semaphore_mem>> -> memref<1x!tpu.dma_semaphore, #tpu.memory_space<semaphore_mem>>
      %dma_wait3A_85 = tpu.memref_squeeze %dma_wait3A_84 : memref<1x!tpu.dma_semaphore, #tpu.memory_space<semaphore_mem>> -> memref<!tpu.dma_semaphore, #tpu.memory_space<semaphore_mem>>
      %dma_wait3A_86 = arith.constant 0 : i32
      %dma_wait3A_87 = tpu.memref_slice %arg5[%dma_wait3A_86] : memref<500000xf32, #tpu.memory_space<hbm>> -> memref<2000xf32, #tpu.memory_space<hbm>>
      tpu.wait_dma2 semaphore(%dma_wait3A_85 : memref<!tpu.dma_semaphore, #tpu.memory_space<semaphore_mem>>) src(%dma_wait3A_87 : memref<2000xf32, #tpu.memory_space<hbm>>) dst(%arg13 : memref<2000xf32, #tpu.memory_space<vmem>>)
      %dma_wait3A_88 = arith.constant 0 : i32
      %dma_wait3A_89 = arith.constant 0 : i32
      %dma_wait3A_90 = tpu.memref_slice %arg6[%dma_wait3A_89] : memref<500000xi32, #tpu.memory_space<hbm>> -> memref<2000xi32, #tpu.memory_space<hbm>>
      %dma_wait3A_91 = tpu.memref_slice %arg19[%dma_wait3A_88] : memref<2x!tpu.dma_semaphore, #tpu.memory_space<semaphore_mem>> -> memref<1x!tpu.dma_semaphore, #tpu.memory_space<semaphore_mem>>
      %dma_wait3A_92 = tpu.memref_squeeze %dma_wait3A_91 : memref<1x!tpu.dma_semaphore, #tpu.memory_space<semaphore_mem>> -> memref<!tpu.dma_semaphore, #tpu.memory_space<semaphore_mem>>
      %dma_wait3A_93 = arith.constant 0 : i32
      %dma_wait3A_94 = tpu.memref_slice %arg6[%dma_wait3A_93] : memref<500000xi32, #tpu.memory_space<hbm>> -> memref<2000xi32, #tpu.memory_space<hbm>>
      tpu.wait_dma2 semaphore(%dma_wait3A_92 : memref<!tpu.dma_semaphore, #tpu.memory_space<semaphore_mem>>) src(%dma_wait3A_94 : memref<2000xi32, #tpu.memory_space<hbm>>) dst(%arg15 : memref<2000xi32, #tpu.memory_space<vmem>>)
      %scan3A = arith.constant 0 : i32
      %scan3A_95 = arith.constant 0 : i32
      %scan3A_96 = arith.constant 125 : i32
      %scan3A_97 = arith.addi %scan3A_95, %scan3A_96 : i32
      %scan3A_98 = arith.constant 1 : i32
      scf.for %scan3A_109 = %scan3A_95 to %scan3A_97 step %scan3A_98  : i32 {
        %mul3A_110 = arith.constant 16 : i32
        %mul3A_111 = arith.muli %scan3A_109, %mul3A_110 : i32
        %get3A = arith.index_cast %mul3A_111 : i32 to index
        %get3A_112 = tpu.vector_load %arg15[%get3A] {strides = array<i32>} : memref<2000xi32, #tpu.memory_space<vmem>>, vector<16xi32>,
        %get3A_113 = arith.index_cast %mul3A_111 : i32 to index
        %get3A_114 = tpu.vector_load %arg9[%get3A_113] {strides = array<i32>} : memref<2000xf32, #tpu.memory_space<vmem>>, vector<16xf32>,
        %get3A_115 = arith.index_cast %mul3A_111 : i32 to index
        %get3A_116 = tpu.vector_load %arg11[%get3A_115] {strides = array<i32>} : memref<2000xf32, #tpu.memory_space<vmem>>, vector<16xf32>,
        %get3A_117 = arith.index_cast %mul3A_111 : i32 to index
        %get3A_118 = tpu.vector_load %arg13[%get3A_117] {strides = array<i32>} : memref<2000xf32, #tpu.memory_space<vmem>>, vector<16xf32>,
        %mul3A_119 = arith.constant 16 : i32
        %mul3A_120 = vector.broadcast %mul3A_119 : i32 to vector<16xi32>
        %mul3A_121 = arith.muli %get3A_112, %mul3A_120 : vector<16xi32>
        %add3A_122 = arith.constant 0 : i32
        %add3A_123 = vector.broadcast %add3A_122 : i32 to vector<16xi32>
        %add3A_124 = arith.addi %mul3A_121, %add3A_123 : vector<16xi32>
        %gather3A = tpu.vector_load_idx %arg8[%add3A_124] : memref<128xf32, #tpu.memory_space<vmem>>[vector<16xi32>], vector<16xf32>,
        %add3A_125 = arith.constant 1 : i32
        %add3A_126 = vector.broadcast %add3A_125 : i32 to vector<16xi32>
        %add3A_127 = arith.addi %mul3A_121, %add3A_126 : vector<16xi32>
        %gather3A_128 = tpu.vector_load_idx %arg8[%add3A_127] : memref<128xf32, #tpu.memory_space<vmem>>[vector<16xi32>], vector<16xf32>,
        %add3A_129 = arith.constant 2 : i32
        %add3A_130 = vector.broadcast %add3A_129 : i32 to vector<16xi32>
        %add3A_131 = arith.addi %mul3A_121, %add3A_130 : vector<16xi32>
        %gather3A_132 = tpu.vector_load_idx %arg8[%add3A_131] : memref<128xf32, #tpu.memory_space<vmem>>[vector<16xi32>], vector<16xf32>,
        %add3A_133 = arith.constant 3 : i32
        %add3A_134 = vector.broadcast %add3A_133 : i32 to vector<16xi32>
        %add3A_135 = arith.addi %mul3A_121, %add3A_134 : vector<16xi32>
        %gather3A_136 = tpu.vector_load_idx %arg8[%add3A_135] : memref<128xf32, #tpu.memory_space<vmem>>[vector<16xi32>], vector<16xf32>,
        %mul3A_137 = arith.mulf %gather3A, %get3A_114 : vector<16xf32>
        %mul3A_138 = arith.mulf %gather3A_128, %get3A_116 : vector<16xf32>
        %add3A_139 = arith.addf %mul3A_137, %mul3A_138 : vector<16xf32>
        %mul3A_140 = arith.mulf %gather3A_132, %get3A_118 : vector<16xf32>
        %add3A_141 = arith.addf %add3A_139, %mul3A_140 : vector<16xf32>
        %add3A_142 = arith.addf %add3A_141, %gather3A_136 : vector<16xf32>
        %add3A_143 = arith.constant 4 : i32
        %add3A_144 = vector.broadcast %add3A_143 : i32 to vector<16xi32>
        %add3A_145 = arith.addi %mul3A_121, %add3A_144 : vector<16xi32>
        %gather3A_146 = tpu.vector_load_idx %arg8[%add3A_145] : memref<128xf32, #tpu.memory_space<vmem>>[vector<16xi32>], vector<16xf32>,
        %add3A_147 = arith.constant 5 : i32
        %add3A_148 = vector.broadcast %add3A_147 : i32 to vector<16xi32>
        %add3A_149 = arith.addi %mul3A_121, %add3A_148 : vector<16xi32>
        %gather3A_150 = tpu.vector_load_idx %arg8[%add3A_149] : memref<128xf32, #tpu.memory_space<vmem>>[vector<16xi32>], vector<16xf32>,
        %add3A_151 = arith.constant 6 : i32
        %add3A_152 = vector.broadcast %add3A_151 : i32 to vector<16xi32>
        %add3A_153 = arith.addi %mul3A_121, %add3A_152 : vector<16xi32>
        %gather3A_154 = tpu.vector_load_idx %arg8[%add3A_153] : memref<128xf32, #tpu.memory_space<vmem>>[vector<16xi32>], vector<16xf32>,
        %add3A_155 = arith.constant 7 : i32
        %add3A_156 = vector.broadcast %add3A_155 : i32 to vector<16xi32>
        %add3A_157 = arith.addi %mul3A_121, %add3A_156 : vector<16xi32>
        %gather3A_158 = tpu.vector_load_idx %arg8[%add3A_157] : memref<128xf32, #tpu.memory_space<vmem>>[vector<16xi32>], vector<16xf32>,
        %mul3A_159 = arith.mulf %gather3A_146, %get3A_114 : vector<16xf32>
        %mul3A_160 = arith.mulf %gather3A_150, %get3A_116 : vector<16xf32>
        %add3A_161 = arith.addf %mul3A_159, %mul3A_160 : vector<16xf32>
        %mul3A_162 = arith.mulf %gather3A_154, %get3A_118 : vector<16xf32>
        %add3A_163 = arith.addf %add3A_161, %mul3A_162 : vector<16xf32>
        %add3A_164 = arith.addf %add3A_163, %gather3A_158 : vector<16xf32>
        %add3A_165 = arith.constant 8 : i32
        %add3A_166 = vector.broadcast %add3A_165 : i32 to vector<16xi32>
        %add3A_167 = arith.addi %mul3A_121, %add3A_166 : vector<16xi32>
        %gather3A_168 = tpu.vector_load_idx %arg8[%add3A_167] : memref<128xf32, #tpu.memory_space<vmem>>[vector<16xi32>], vector<16xf32>,
        %add3A_169 = arith.constant 9 : i32
        %add3A_170 = vector.broadcast %add3A_169 : i32 to vector<16xi32>
        %add3A_171 = arith.addi %mul3A_121, %add3A_170 : vector<16xi32>
        %gather3A_172 = tpu.vector_load_idx %arg8[%add3A_171] : memref<128xf32, #tpu.memory_space<vmem>>[vector<16xi32>], vector<16xf32>,
        %add3A_173 = arith.constant 10 : i32
        %add3A_174 = vector.broadcast %add3A_173 : i32 to vector<16xi32>
        %add3A_175 = arith.addi %mul3A_121, %add3A_174 : vector<16xi32>
        %gather3A_176 = tpu.vector_load_idx %arg8[%add3A_175] : memref<128xf32, #tpu.memory_space<vmem>>[vector<16xi32>], vector<16xf32>,
        %add3A_177 = arith.constant 11 : i32
        %add3A_178 = vector.broadcast %add3A_177 : i32 to vector<16xi32>
        %add3A_179 = arith.addi %mul3A_121, %add3A_178 : vector<16xi32>
        %gather3A_180 = tpu.vector_load_idx %arg8[%add3A_179] : memref<128xf32, #tpu.memory_space<vmem>>[vector<16xi32>], vector<16xf32>,
        %mul3A_181 = arith.mulf %gather3A_168, %get3A_114 : vector<16xf32>
        %mul3A_182 = arith.mulf %gather3A_172, %get3A_116 : vector<16xf32>
        %add3A_183 = arith.addf %mul3A_181, %mul3A_182 : vector<16xf32>
        %mul3A_184 = arith.mulf %gather3A_176, %get3A_118 : vector<16xf32>
        %add3A_185 = arith.addf %add3A_183, %mul3A_184 : vector<16xf32>
        %add3A_186 = arith.addf %add3A_185, %gather3A_180 : vector<16xf32>
        %mul3A_187 = arith.constant 1.600000e+01 : f32
        %mul3A_188 = vector.broadcast %mul3A_187 : f32 to vector<16xf32>
        %mul3A_189 = arith.mulf %add3A_142, %mul3A_188 : vector<16xf32>
        %mul3A_190 = arith.constant 1.600000e+01 : f32
        %mul3A_191 = vector.broadcast %mul3A_190 : f32 to vector<16xf32>
        %mul3A_192 = arith.mulf %add3A_164, %mul3A_191 : vector<16xf32>
        %mul3A_193 = arith.constant 1.600000e+01 : f32
        %mul3A_194 = vector.broadcast %mul3A_193 : f32 to vector<16xf32>
        %mul3A_195 = arith.mulf %add3A_186, %mul3A_194 : vector<16xf32>
        %ge3A = arith.constant 0.000000e+00 : f32
        %ge3A_196 = vector.broadcast %ge3A : f32 to vector<16xf32>
        %ge3A_197 = arith.cmpf oge, %mul3A_189, %ge3A_196 : vector<16xf32>
        %lt3A_198 = arith.constant 9.600000e+01 : f32
        %lt3A_199 = vector.broadcast %lt3A_198 : f32 to vector<16xf32>
        %lt3A_200 = arith.cmpf olt, %mul3A_189, %lt3A_199 : vector<16xf32>
        %and3A_201 = arith.andi %ge3A_197, %lt3A_200 : vector<16xi1>
        %ge3A_202 = arith.constant 0.000000e+00 : f32
        %ge3A_203 = vector.broadcast %ge3A_202 : f32 to vector<16xf32>
        %ge3A_204 = arith.cmpf oge, %mul3A_192, %ge3A_203 : vector<16xf32>
        %and3A_205 = arith.andi %and3A_201, %ge3A_204 : vector<16xi1>
        %lt3A_206 = arith.constant 9.600000e+01 : f32
        %lt3A_207 = vector.broadcast %lt3A_206 : f32 to vector<16xf32>
        %lt3A_208 = arith.cmpf olt, %mul3A_192, %lt3A_207 : vector<16xf32>
        %and3A_209 = arith.andi %and3A_205, %lt3A_208 : vector<16xi1>
        %ge3A_210 = arith.constant 0.000000e+00 : f32
        %ge3A_211 = vector.broadcast %ge3A_210 : f32 to vector<16xf32>
        %ge3A_212 = arith.cmpf oge, %mul3A_195, %ge3A_211 : vector<16xf32>
        %and3A_213 = arith.andi %and3A_209, %ge3A_212 : vector<16xi1>
        %lt3A_214 = arith.constant 4.800000e+01 : f32
        %lt3A_215 = vector.broadcast %lt3A_214 : f32 to vector<16xf32>
        %lt3A_216 = arith.cmpf olt, %mul3A_195, %lt3A_215 : vector<16xf32>
        %and3A_217 = arith.andi %and3A_213, %lt3A_216 : vector<16xi1>
        %jit3A_218 = arith.constant 1.000000e+00 : f32
        %jit3A_219 = arith.constant 0.000000e+00 : f32
        %broadcast_in_dim3A = vector.broadcast %jit3A_218 : f32 to vector<16xf32>
        %broadcast_in_dim3A_220 = vector.broadcast %jit3A_219 : f32 to vector<16xf32>
        %select_n3A_221 = arith.select %and3A_217, %broadcast_in_dim3A, %broadcast_in_dim3A_220 : vector<16xi1>, vector<16xf32>
        %swap3A = arith.index_cast %mul3A_111 : i32 to index
        %swap3A_222 = tpu.vector_load %arg17[%swap3A] {strides = array<i32>} : memref<2000xf32, #tpu.memory_space<vmem>>, vector<16xf32>,
        tpu.vector_store %arg17[%swap3A], %select_n3A_221 {strides = array<i32>} : memref<2000xf32, #tpu.memory_space<vmem>>, vector<16xf32>,
      }
      %scan3A_99 = arith.constant 125 : i32
      %mul3A_100 = arith.constant 32 : i32
      %mul3A_101 = arith.muli %mul3A_62, %mul3A_100 : i32
      %add3A_102 = arith.addi %add3A, %mul3A_101 : i32
      %mul3A_103 = arith.constant 2000 : i32
      %mul3A_104 = arith.muli %add3A_102, %mul3A_103 : i32
      "tpu.region"() ({
        %run_scoped3A = tpu.sem_alloc : memref<!tpu.dma_semaphore, #tpu.memory_space<semaphore_mem>>
        %dma_start3A = tpu.memref_slice %arg7[%mul3A_104] : memref<500000xf32, #tpu.memory_space<hbm>> -> memref<2000xf32, #tpu.memory_space<hbm>>
        %dma_start3A_109 = tpu.memref_slice %arg7[%mul3A_104] : memref<500000xf32, #tpu.memory_space<hbm>> -> memref<2000xf32, #tpu.memory_space<hbm>>
        tpu.enqueue_dma source(%arg17 : memref<2000xf32, #tpu.memory_space<vmem>>) target(%dma_start3A_109 : memref<2000xf32, #tpu.memory_space<hbm>>) target_semaphore(%run_scoped3A : memref<!tpu.dma_semaphore, #tpu.memory_space<semaphore_mem>>)
        %dma_wait3A_110 = tpu.memref_slice %arg7[%mul3A_104] : memref<500000xf32, #tpu.memory_space<hbm>> -> memref<2000xf32, #tpu.memory_space<hbm>>
        %dma_wait3A_111 = tpu.memref_slice %arg7[%mul3A_104] : memref<500000xf32, #tpu.memory_space<hbm>> -> memref<2000xf32, #tpu.memory_space<hbm>>
        tpu.wait_dma2 semaphore(%run_scoped3A : memref<!tpu.dma_semaphore, #tpu.memory_space<semaphore_mem>>) src(%arg17 : memref<2000xf32, #tpu.memory_space<vmem>>) dst(%dma_wait3A_111 : memref<2000xf32, #tpu.memory_space<hbm>>)
        tpu.yield
      }) : () -> ()
      %lt3A_105 = arith.cmpi slt, %add3A_64, %select_n3A : i32
      %convert_element_type3A_106 = arith.extui %lt3A_105 : i1 to i32
      %cond3A_107 = arith.constant 0 : i32
      %cond3A_108 = arith.cmpi ne, %convert_element_type3A_106, %cond3A_107 : i32
      scf.if %cond3A_108 {
        %add3A_109 = arith.constant 1 : i32
        %add3A_110 = arith.addi %add3A_64, %add3A_109 : i32
        %lt3A_111 = arith.cmpi slt, %add3A_110, %select_n3A : i32
        %convert_element_type3A_112 = arith.extui %lt3A_111 : i1 to i32
        %cond3A_113 = arith.constant 0 : i32
        %cond3A_114 = arith.cmpi ne, %convert_element_type3A_112, %cond3A_113 : i32
        scf.if %cond3A_114 {
          %add3A_154 = arith.constant 1 : i32
          %add3A_155 = arith.addi %add3A_64, %add3A_154 : i32
          %mul3A_156 = arith.constant 32 : i32
          %mul3A_157 = arith.muli %add3A_155, %mul3A_156 : i32
          %add3A_158 = arith.addi %add3A, %mul3A_157 : i32
          %mul3A_159 = arith.constant 2000 : i32
          %mul3A_160 = arith.muli %add3A_158, %mul3A_159 : i32
          %dma_start3A = arith.constant 0 : i32
          %dma_start3A_161 = tpu.memref_slice %arg3[%mul3A_160] : memref<500000xf32, #tpu.memory_space<hbm>> -> memref<2000xf32, #tpu.memory_space<hbm>>
          %dma_start3A_162 = tpu.memref_slice %arg19[%dma_start3A] : memref<2x!tpu.dma_semaphore, #tpu.memory_space<semaphore_mem>> -> memref<1x!tpu.dma_semaphore, #tpu.memory_space<semaphore_mem>>
          %dma_start3A_163 = tpu.memref_squeeze %dma_start3A_162 : memref<1x!tpu.dma_semaphore, #tpu.memory_space<semaphore_mem>> -> memref<!tpu.dma_semaphore, #tpu.memory_space<semaphore_mem>>
          %dma_start3A_164 = tpu.memref_slice %arg3[%mul3A_160] : memref<500000xf32, #tpu.memory_space<hbm>> -> memref<2000xf32, #tpu.memory_space<hbm>>
          tpu.enqueue_dma source(%dma_start3A_164 : memref<2000xf32, #tpu.memory_space<hbm>>) target(%arg9 : memref<2000xf32, #tpu.memory_space<vmem>>) target_semaphore(%dma_start3A_163 : memref<!tpu.dma_semaphore, #tpu.memory_space<semaphore_mem>>)
          %dma_start3A_165 = arith.constant 0 : i32
          %dma_start3A_166 = tpu.memref_slice %arg4[%mul3A_160] : memref<500000xf32, #tpu.memory_space<hbm>> -> memref<2000xf32, #tpu.memory_space<hbm>>
          %dma_start3A_167 = tpu.memref_slice %arg19[%dma_start3A_165] : memref<2x!tpu.dma_semaphore, #tpu.memory_space<semaphore_mem>> -> memref<1x!tpu.dma_semaphore, #tpu.memory_space<semaphore_mem>>
          %dma_start3A_168 = tpu.memref_squeeze %dma_start3A_167 : memref<1x!tpu.dma_semaphore, #tpu.memory_space<semaphore_mem>> -> memref<!tpu.dma_semaphore, #tpu.memory_space<semaphore_mem>>
          %dma_start3A_169 = tpu.memref_slice %arg4[%mul3A_160] : memref<500000xf32, #tpu.memory_space<hbm>> -> memref<2000xf32, #tpu.memory_space<hbm>>
          tpu.enqueue_dma source(%dma_start3A_169 : memref<2000xf32, #tpu.memory_space<hbm>>) target(%arg11 : memref<2000xf32, #tpu.memory_space<vmem>>) target_semaphore(%dma_start3A_168 : memref<!tpu.dma_semaphore, #tpu.memory_space<semaphore_mem>>)
          %dma_start3A_170 = arith.constant 0 : i32
          %dma_start3A_171 = tpu.memref_slice %arg5[%mul3A_160] : memref<500000xf32, #tpu.memory_space<hbm>> -> memref<2000xf32, #tpu.memory_space<hbm>>
          %dma_start3A_172 = tpu.memref_slice %arg19[%dma_start3A_170] : memref<2x!tpu.dma_semaphore, #tpu.memory_space<semaphore_mem>> -> memref<1x!tpu.dma_semaphore, #tpu.memory_space<semaphore_mem>>
          %dma_start3A_173 = tpu.memref_squeeze %dma_start3A_172 : memref<1x!tpu.dma_semaphore, #tpu.memory_space<semaphore_mem>> -> memref<!tpu.dma_semaphore, #tpu.memory_space<semaphore_mem>>
          %dma_start3A_174 = tpu.memref_slice %arg5[%mul3A_160] : memref<500000xf32, #tpu.memory_space<hbm>> -> memref<2000xf32, #tpu.memory_space<hbm>>
          tpu.enqueue_dma source(%dma_start3A_174 : memref<2000xf32, #tpu.memory_space<hbm>>) target(%arg13 : memref<2000xf32, #tpu.memory_space<vmem>>) target_semaphore(%dma_start3A_173 : memref<!tpu.dma_semaphore, #tpu.memory_space<semaphore_mem>>)
          %dma_start3A_175 = arith.constant 0 : i32
          %dma_start3A_176 = tpu.memref_slice %arg6[%mul3A_160] : memref<500000xi32, #tpu.memory_space<hbm>> -> memref<2000xi32, #tpu.memory_space<hbm>>
          %dma_start3A_177 = tpu.memref_slice %arg19[%dma_start3A_175] : memref<2x!tpu.dma_semaphore, #tpu.memory_space<semaphore_mem>> -> memref<1x!tpu.dma_semaphore, #tpu.memory_space<semaphore_mem>>
          %dma_start3A_178 = tpu.memref_squeeze %dma_start3A_177 : memref<1x!tpu.dma_semaphore, #tpu.memory_space<semaphore_mem>> -> memref<!tpu.dma_semaphore, #tpu.memory_space<semaphore_mem>>
          %dma_start3A_179 = tpu.memref_slice %arg6[%mul3A_160] : memref<500000xi32, #tpu.memory_space<hbm>> -> memref<2000xi32, #tpu.memory_space<hbm>>
          tpu.enqueue_dma source(%dma_start3A_179 : memref<2000xi32, #tpu.memory_space<hbm>>) target(%arg15 : memref<2000xi32, #tpu.memory_space<vmem>>) target_semaphore(%dma_start3A_178 : memref<!tpu.dma_semaphore, #tpu.memory_space<semaphore_mem>>)
        } else {
        }
        %dma_wait3A_115 = arith.constant 1 : i32
        %dma_wait3A_116 = arith.constant 0 : i32
        %dma_wait3A_117 = tpu.memref_slice %arg3[%dma_wait3A_116] : memref<500000xf32, #tpu.memory_space<hbm>> -> memref<2000xf32, #tpu.memory_space<hbm>>
        %dma_wait3A_118 = tpu.memref_slice %arg19[%dma_wait3A_115] : memref<2x!tpu.dma_semaphore, #tpu.memory_space<semaphore_mem>> -> memref<1x!tpu.dma_semaphore, #tpu.memory_space<semaphore_mem>>
        %dma_wait3A_119 = tpu.memref_squeeze %dma_wait3A_118 : memref<1x!tpu.dma_semaphore, #tpu.memory_space<semaphore_mem>> -> memref<!tpu.dma_semaphore, #tpu.memory_space<semaphore_mem>>
        %dma_wait3A_120 = arith.constant 0 : i32
        %dma_wait3A_121 = tpu.memref_slice %arg3[%dma_wait3A_120] : memref<500000xf32, #tpu.memory_space<hbm>> -> memref<2000xf32, #tpu.memory_space<hbm>>
        tpu.wait_dma2 semaphore(%dma_wait3A_119 : memref<!tpu.dma_semaphore, #tpu.memory_space<semaphore_mem>>) src(%dma_wait3A_121 : memref<2000xf32, #tpu.memory_space<hbm>>) dst(%arg10 : memref<2000xf32, #tpu.memory_space<vmem>>)
        %dma_wait3A_122 = arith.constant 1 : i32
        %dma_wait3A_123 = arith.constant 0 : i32
        %dma_wait3A_124 = tpu.memref_slice %arg4[%dma_wait3A_123] : memref<500000xf32, #tpu.memory_space<hbm>> -> memref<2000xf32, #tpu.memory_space<hbm>>
        %dma_wait3A_125 = tpu.memref_slice %arg19[%dma_wait3A_122] : memref<2x!tpu.dma_semaphore, #tpu.memory_space<semaphore_mem>> -> memref<1x!tpu.dma_semaphore, #tpu.memory_space<semaphore_mem>>
        %dma_wait3A_126 = tpu.memref_squeeze %dma_wait3A_125 : memref<1x!tpu.dma_semaphore, #tpu.memory_space<semaphore_mem>> -> memref<!tpu.dma_semaphore, #tpu.memory_space<semaphore_mem>>
        %dma_wait3A_127 = arith.constant 0 : i32
        %dma_wait3A_128 = tpu.memref_slice %arg4[%dma_wait3A_127] : memref<500000xf32, #tpu.memory_space<hbm>> -> memref<2000xf32, #tpu.memory_space<hbm>>
        tpu.wait_dma2 semaphore(%dma_wait3A_126 : memref<!tpu.dma_semaphore, #tpu.memory_space<semaphore_mem>>) src(%dma_wait3A_128 : memref<2000xf32, #tpu.memory_space<hbm>>) dst(%arg12 : memref<2000xf32, #tpu.memory_space<vmem>>)
        %dma_wait3A_129 = arith.constant 1 : i32
        %dma_wait3A_130 = arith.constant 0 : i32
        %dma_wait3A_131 = tpu.memref_slice %arg5[%dma_wait3A_130] : memref<500000xf32, #tpu.memory_space<hbm>> -> memref<2000xf32, #tpu.memory_space<hbm>>
        %dma_wait3A_132 = tpu.memref_slice %arg19[%dma_wait3A_129] : memref<2x!tpu.dma_semaphore, #tpu.memory_space<semaphore_mem>> -> memref<1x!tpu.dma_semaphore, #tpu.memory_space<semaphore_mem>>
        %dma_wait3A_133 = tpu.memref_squeeze %dma_wait3A_132 : memref<1x!tpu.dma_semaphore, #tpu.memory_space<semaphore_mem>> -> memref<!tpu.dma_semaphore, #tpu.memory_space<semaphore_mem>>
        %dma_wait3A_134 = arith.constant 0 : i32
        %dma_wait3A_135 = tpu.memref_slice %arg5[%dma_wait3A_134] : memref<500000xf32, #tpu.memory_space<hbm>> -> memref<2000xf32, #tpu.memory_space<hbm>>
        tpu.wait_dma2 semaphore(%dma_wait3A_133 : memref<!tpu.dma_semaphore, #tpu.memory_space<semaphore_mem>>) src(%dma_wait3A_135 : memref<2000xf32, #tpu.memory_space<hbm>>) dst(%arg14 : memref<2000xf32, #tpu.memory_space<vmem>>)
        %dma_wait3A_136 = arith.constant 1 : i32
        %dma_wait3A_137 = arith.constant 0 : i32
        %dma_wait3A_138 = tpu.memref_slice %arg6[%dma_wait3A_137] : memref<500000xi32, #tpu.memory_space<hbm>> -> memref<2000xi32, #tpu.memory_space<hbm>>
        %dma_wait3A_139 = tpu.memref_slice %arg19[%dma_wait3A_136] : memref<2x!tpu.dma_semaphore, #tpu.memory_space<semaphore_mem>> -> memref<1x!tpu.dma_semaphore, #tpu.memory_space<semaphore_mem>>
        %dma_wait3A_140 = tpu.memref_squeeze %dma_wait3A_139 : memref<1x!tpu.dma_semaphore, #tpu.memory_space<semaphore_mem>> -> memref<!tpu.dma_semaphore, #tpu.memory_space<semaphore_mem>>
        %dma_wait3A_141 = arith.constant 0 : i32
        %dma_wait3A_142 = tpu.memref_slice %arg6[%dma_wait3A_141] : memref<500000xi32, #tpu.memory_space<hbm>> -> memref<2000xi32, #tpu.memory_space<hbm>>
        tpu.wait_dma2 semaphore(%dma_wait3A_140 : memref<!tpu.dma_semaphore, #tpu.memory_space<semaphore_mem>>) src(%dma_wait3A_142 : memref<2000xi32, #tpu.memory_space<hbm>>) dst(%arg16 : memref<2000xi32, #tpu.memory_space<vmem>>)
        %scan3A_143 = arith.constant 0 : i32
        %scan3A_144 = arith.constant 0 : i32
        %scan3A_145 = arith.constant 125 : i32
        %scan3A_146 = arith.addi %scan3A_144, %scan3A_145 : i32
        %scan3A_147 = arith.constant 1 : i32
        scf.for %scan3A_154 = %scan3A_144 to %scan3A_146 step %scan3A_147  : i32 {
          %mul3A_155 = arith.constant 16 : i32
          %mul3A_156 = arith.muli %scan3A_154, %mul3A_155 : i32
          %get3A = arith.index_cast %mul3A_156 : i32 to index
          %get3A_157 = tpu.vector_load %arg16[%get3A] {strides = array<i32>} : memref<2000xi32, #tpu.memory_space<vmem>>, vector<16xi32>,
          %get3A_158 = arith.index_cast %mul3A_156 : i32 to index
          %get3A_159 = tpu.vector_load %arg10[%get3A_158] {strides = array<i32>} : memref<2000xf32, #tpu.memory_space<vmem>>, vector<16xf32>,
          %get3A_160 = arith.index_cast %mul3A_156 : i32 to index
          %get3A_161 = tpu.vector_load %arg12[%get3A_160] {strides = array<i32>} : memref<2000xf32, #tpu.memory_space<vmem>>, vector<16xf32>,
          %get3A_162 = arith.index_cast %mul3A_156 : i32 to index
          %get3A_163 = tpu.vector_load %arg14[%get3A_162] {strides = array<i32>} : memref<2000xf32, #tpu.memory_space<vmem>>, vector<16xf32>,
          %mul3A_164 = arith.constant 16 : i32
          %mul3A_165 = vector.broadcast %mul3A_164 : i32 to vector<16xi32>
          %mul3A_166 = arith.muli %get3A_157, %mul3A_165 : vector<16xi32>
          %add3A_167 = arith.constant 0 : i32
          %add3A_168 = vector.broadcast %add3A_167 : i32 to vector<16xi32>
          %add3A_169 = arith.addi %mul3A_166, %add3A_168 : vector<16xi32>
          %gather3A = tpu.vector_load_idx %arg8[%add3A_169] : memref<128xf32, #tpu.memory_space<vmem>>[vector<16xi32>], vector<16xf32>,
          %add3A_170 = arith.constant 1 : i32
          %add3A_171 = vector.broadcast %add3A_170 : i32 to vector<16xi32>
          %add3A_172 = arith.addi %mul3A_166, %add3A_171 : vector<16xi32>
          %gather3A_173 = tpu.vector_load_idx %arg8[%add3A_172] : memref<128xf32, #tpu.memory_space<vmem>>[vector<16xi32>], vector<16xf32>,
          %add3A_174 = arith.constant 2 : i32
          %add3A_175 = vector.broadcast %add3A_174 : i32 to vector<16xi32>
          %add3A_176 = arith.addi %mul3A_166, %add3A_175 : vector<16xi32>
          %gather3A_177 = tpu.vector_load_idx %arg8[%add3A_176] : memref<128xf32, #tpu.memory_space<vmem>>[vector<16xi32>], vector<16xf32>,
          %add3A_178 = arith.constant 3 : i32
          %add3A_179 = vector.broadcast %add3A_178 : i32 to vector<16xi32>
          %add3A_180 = arith.addi %mul3A_166, %add3A_179 : vector<16xi32>
          %gather3A_181 = tpu.vector_load_idx %arg8[%add3A_180] : memref<128xf32, #tpu.memory_space<vmem>>[vector<16xi32>], vector<16xf32>,
          %mul3A_182 = arith.mulf %gather3A, %get3A_159 : vector<16xf32>
          %mul3A_183 = arith.mulf %gather3A_173, %get3A_161 : vector<16xf32>
          %add3A_184 = arith.addf %mul3A_182, %mul3A_183 : vector<16xf32>
          %mul3A_185 = arith.mulf %gather3A_177, %get3A_163 : vector<16xf32>
          %add3A_186 = arith.addf %add3A_184, %mul3A_185 : vector<16xf32>
          %add3A_187 = arith.addf %add3A_186, %gather3A_181 : vector<16xf32>
          %add3A_188 = arith.constant 4 : i32
          %add3A_189 = vector.broadcast %add3A_188 : i32 to vector<16xi32>
          %add3A_190 = arith.addi %mul3A_166, %add3A_189 : vector<16xi32>
          %gather3A_191 = tpu.vector_load_idx %arg8[%add3A_190] : memref<128xf32, #tpu.memory_space<vmem>>[vector<16xi32>], vector<16xf32>,
          %add3A_192 = arith.constant 5 : i32
          %add3A_193 = vector.broadcast %add3A_192 : i32 to vector<16xi32>
          %add3A_194 = arith.addi %mul3A_166, %add3A_193 : vector<16xi32>
          %gather3A_195 = tpu.vector_load_idx %arg8[%add3A_194] : memref<128xf32, #tpu.memory_space<vmem>>[vector<16xi32>], vector<16xf32>,
          %add3A_196 = arith.constant 6 : i32
          %add3A_197 = vector.broadcast %add3A_196 : i32 to vector<16xi32>
          %add3A_198 = arith.addi %mul3A_166, %add3A_197 : vector<16xi32>
          %gather3A_199 = tpu.vector_load_idx %arg8[%add3A_198] : memref<128xf32, #tpu.memory_space<vmem>>[vector<16xi32>], vector<16xf32>,
          %add3A_200 = arith.constant 7 : i32
          %add3A_201 = vector.broadcast %add3A_200 : i32 to vector<16xi32>
          %add3A_202 = arith.addi %mul3A_166, %add3A_201 : vector<16xi32>
          %gather3A_203 = tpu.vector_load_idx %arg8[%add3A_202] : memref<128xf32, #tpu.memory_space<vmem>>[vector<16xi32>], vector<16xf32>,
          %mul3A_204 = arith.mulf %gather3A_191, %get3A_159 : vector<16xf32>
          %mul3A_205 = arith.mulf %gather3A_195, %get3A_161 : vector<16xf32>
          %add3A_206 = arith.addf %mul3A_204, %mul3A_205 : vector<16xf32>
          %mul3A_207 = arith.mulf %gather3A_199, %get3A_163 : vector<16xf32>
          %add3A_208 = arith.addf %add3A_206, %mul3A_207 : vector<16xf32>
          %add3A_209 = arith.addf %add3A_208, %gather3A_203 : vector<16xf32>
          %add3A_210 = arith.constant 8 : i32
          %add3A_211 = vector.broadcast %add3A_210 : i32 to vector<16xi32>
          %add3A_212 = arith.addi %mul3A_166, %add3A_211 : vector<16xi32>
          %gather3A_213 = tpu.vector_load_idx %arg8[%add3A_212] : memref<128xf32, #tpu.memory_space<vmem>>[vector<16xi32>], vector<16xf32>,
          %add3A_214 = arith.constant 9 : i32
          %add3A_215 = vector.broadcast %add3A_214 : i32 to vector<16xi32>
          %add3A_216 = arith.addi %mul3A_166, %add3A_215 : vector<16xi32>
          %gather3A_217 = tpu.vector_load_idx %arg8[%add3A_216] : memref<128xf32, #tpu.memory_space<vmem>>[vector<16xi32>], vector<16xf32>,
          %add3A_218 = arith.constant 10 : i32
          %add3A_219 = vector.broadcast %add3A_218 : i32 to vector<16xi32>
          %add3A_220 = arith.addi %mul3A_166, %add3A_219 : vector<16xi32>
          %gather3A_221 = tpu.vector_load_idx %arg8[%add3A_220] : memref<128xf32, #tpu.memory_space<vmem>>[vector<16xi32>], vector<16xf32>,
          %add3A_222 = arith.constant 11 : i32
          %add3A_223 = vector.broadcast %add3A_222 : i32 to vector<16xi32>
          %add3A_224 = arith.addi %mul3A_166, %add3A_223 : vector<16xi32>
          %gather3A_225 = tpu.vector_load_idx %arg8[%add3A_224] : memref<128xf32, #tpu.memory_space<vmem>>[vector<16xi32>], vector<16xf32>,
          %mul3A_226 = arith.mulf %gather3A_213, %get3A_159 : vector<16xf32>
          %mul3A_227 = arith.mulf %gather3A_217, %get3A_161 : vector<16xf32>
          %add3A_228 = arith.addf %mul3A_226, %mul3A_227 : vector<16xf32>
          %mul3A_229 = arith.mulf %gather3A_221, %get3A_163 : vector<16xf32>
          %add3A_230 = arith.addf %add3A_228, %mul3A_229 : vector<16xf32>
          %add3A_231 = arith.addf %add3A_230, %gather3A_225 : vector<16xf32>
          %mul3A_232 = arith.constant 1.600000e+01 : f32
          %mul3A_233 = vector.broadcast %mul3A_232 : f32 to vector<16xf32>
          %mul3A_234 = arith.mulf %add3A_187, %mul3A_233 : vector<16xf32>
          %mul3A_235 = arith.constant 1.600000e+01 : f32
          %mul3A_236 = vector.broadcast %mul3A_235 : f32 to vector<16xf32>
          %mul3A_237 = arith.mulf %add3A_209, %mul3A_236 : vector<16xf32>
          %mul3A_238 = arith.constant 1.600000e+01 : f32
          %mul3A_239 = vector.broadcast %mul3A_238 : f32 to vector<16xf32>
          %mul3A_240 = arith.mulf %add3A_231, %mul3A_239 : vector<16xf32>
          %ge3A = arith.constant 0.000000e+00 : f32
          %ge3A_241 = vector.broadcast %ge3A : f32 to vector<16xf32>
          %ge3A_242 = arith.cmpf oge, %mul3A_234, %ge3A_241 : vector<16xf32>
          %lt3A_243 = arith.constant 9.600000e+01 : f32
          %lt3A_244 = vector.broadcast %lt3A_243 : f32 to vector<16xf32>
          %lt3A_245 = arith.cmpf olt, %mul3A_234, %lt3A_244 : vector<16xf32>
          %and3A_246 = arith.andi %ge3A_242, %lt3A_245 : vector<16xi1>
          %ge3A_247 = arith.constant 0.000000e+00 : f32
          %ge3A_248 = vector.broadcast %ge3A_247 : f32 to vector<16xf32>
          %ge3A_249 = arith.cmpf oge, %mul3A_237, %ge3A_248 : vector<16xf32>
          %and3A_250 = arith.andi %and3A_246, %ge3A_249 : vector<16xi1>
          %lt3A_251 = arith.constant 9.600000e+01 : f32
          %lt3A_252 = vector.broadcast %lt3A_251 : f32 to vector<16xf32>
          %lt3A_253 = arith.cmpf olt, %mul3A_237, %lt3A_252 : vector<16xf32>
          %and3A_254 = arith.andi %and3A_250, %lt3A_253 : vector<16xi1>
          %ge3A_255 = arith.constant 0.000000e+00 : f32
          %ge3A_256 = vector.broadcast %ge3A_255 : f32 to vector<16xf32>
          %ge3A_257 = arith.cmpf oge, %mul3A_240, %ge3A_256 : vector<16xf32>
          %and3A_258 = arith.andi %and3A_254, %ge3A_257 : vector<16xi1>
          %lt3A_259 = arith.constant 4.800000e+01 : f32
          %lt3A_260 = vector.broadcast %lt3A_259 : f32 to vector<16xf32>
          %lt3A_261 = arith.cmpf olt, %mul3A_240, %lt3A_260 : vector<16xf32>
          %and3A_262 = arith.andi %and3A_258, %lt3A_261 : vector<16xi1>
          %jit3A_263 = arith.constant 1.000000e+00 : f32
          %jit3A_264 = arith.constant 0.000000e+00 : f32
          %broadcast_in_dim3A = vector.broadcast %jit3A_263 : f32 to vector<16xf32>
          %broadcast_in_dim3A_265 = vector.broadcast %jit3A_264 : f32 to vector<16xf32>
          %select_n3A_266 = arith.select %and3A_262, %broadcast_in_dim3A, %broadcast_in_dim3A_265 : vector<16xi1>, vector<16xf32>
          %swap3A = arith.index_cast %mul3A_156 : i32 to index
          %swap3A_267 = tpu.vector_load %arg18[%swap3A] {strides = array<i32>} : memref<2000xf32, #tpu.memory_space<vmem>>, vector<16xf32>,
          tpu.vector_store %arg18[%swap3A], %select_n3A_266 {strides = array<i32>} : memref<2000xf32, #tpu.memory_space<vmem>>, vector<16xf32>,
        }
        %scan3A_148 = arith.constant 125 : i32
        %mul3A_149 = arith.constant 32 : i32
        %mul3A_150 = arith.muli %add3A_64, %mul3A_149 : i32
        %add3A_151 = arith.addi %add3A, %mul3A_150 : i32
        %mul3A_152 = arith.constant 2000 : i32
        %mul3A_153 = arith.muli %add3A_151, %mul3A_152 : i32
        "tpu.region"() ({
          %run_scoped3A = tpu.sem_alloc : memref<!tpu.dma_semaphore, #tpu.memory_space<semaphore_mem>>
          %dma_start3A = tpu.memref_slice %arg7[%mul3A_153] : memref<500000xf32, #tpu.memory_space<hbm>> -> memref<2000xf32, #tpu.memory_space<hbm>>
          %dma_start3A_154 = tpu.memref_slice %arg7[%mul3A_153] : memref<500000xf32, #tpu.memory_space<hbm>> -> memref<2000xf32, #tpu.memory_space<hbm>>
          tpu.enqueue_dma source(%arg18 : memref<2000xf32, #tpu.memory_space<vmem>>) target(%dma_start3A_154 : memref<2000xf32, #tpu.memory_space<hbm>>) target_semaphore(%run_scoped3A : memref<!tpu.dma_semaphore, #tpu.memory_space<semaphore_mem>>)
          %dma_wait3A_155 = tpu.memref_slice %arg7[%mul3A_153] : memref<500000xf32, #tpu.memory_space<hbm>> -> memref<2000xf32, #tpu.memory_space<hbm>>
          %dma_wait3A_156 = tpu.memref_slice %arg7[%mul3A_153] : memref<500000xf32, #tpu.memory_space<hbm>> -> memref<2000xf32, #tpu.memory_space<hbm>>
          tpu.wait_dma2 semaphore(%run_scoped3A : memref<!tpu.dma_semaphore, #tpu.memory_space<semaphore_mem>>) src(%arg18 : memref<2000xf32, #tpu.memory_space<vmem>>) dst(%dma_wait3A_156 : memref<2000xf32, #tpu.memory_space<hbm>>)
          tpu.yield
        }) : () -> ()
      } else {
      }
    }
    %while3A_59 = arith.constant 1 : i32
    scf.for %while3A_60 = %while3A_57 to %while3A_53 step %while3A_59  : i32 {
      %mul3A_61 = arith.constant 2 : i32
      %mul3A_62 = arith.muli %while3A_60, %mul3A_61 : i32
      %add3A_63 = arith.constant 1 : i32
      %add3A_64 = arith.addi %mul3A_62, %add3A_63 : i32
      %lt3A = arith.cmpi slt, %add3A_64, %select_n3A : i32
      %convert_element_type3A_65 = arith.extui %lt3A : i1 to i32
      %cond3A_66 = arith.constant 0 : i32
      %cond3A_67 = arith.cmpi ne, %convert_element_type3A_65, %cond3A_66 : i32
      scf.if %cond3A_67 {
        %mul3A_109 = arith.constant 32 : i32
        %mul3A_110 = arith.muli %add3A_64, %mul3A_109 : i32
        %add3A_111 = arith.addi %add3A, %mul3A_110 : i32
        %mul3A_112 = arith.constant 2000 : i32
        %mul3A_113 = arith.muli %add3A_111, %mul3A_112 : i32
        %dma_start3A = arith.constant 1 : i32
        %dma_start3A_114 = tpu.memref_slice %arg3[%mul3A_113] : memref<500000xf32, #tpu.memory_space<hbm>> -> memref<2000xf32, #tpu.memory_space<hbm>>
        %dma_start3A_115 = tpu.memref_slice %arg19[%dma_start3A] : memref<2x!tpu.dma_semaphore, #tpu.memory_space<semaphore_mem>> -> memref<1x!tpu.dma_semaphore, #tpu.memory_space<semaphore_mem>>
        %dma_start3A_116 = tpu.memref_squeeze %dma_start3A_115 : memref<1x!tpu.dma_semaphore, #tpu.memory_space<semaphore_mem>> -> memref<!tpu.dma_semaphore, #tpu.memory_space<semaphore_mem>>
        %dma_start3A_117 = tpu.memref_slice %arg3[%mul3A_113] : memref<500000xf32, #tpu.memory_space<hbm>> -> memref<2000xf32, #tpu.memory_space<hbm>>
        tpu.enqueue_dma source(%dma_start3A_117 : memref<2000xf32, #tpu.memory_space<hbm>>) target(%arg10 : memref<2000xf32, #tpu.memory_space<vmem>>) target_semaphore(%dma_start3A_116 : memref<!tpu.dma_semaphore, #tpu.memory_space<semaphore_mem>>)
        %dma_start3A_118 = arith.constant 1 : i32
        %dma_start3A_119 = tpu.memref_slice %arg4[%mul3A_113] : memref<500000xf32, #tpu.memory_space<hbm>> -> memref<2000xf32, #tpu.memory_space<hbm>>
        %dma_start3A_120 = tpu.memref_slice %arg19[%dma_start3A_118] : memref<2x!tpu.dma_semaphore, #tpu.memory_space<semaphore_mem>> -> memref<1x!tpu.dma_semaphore, #tpu.memory_space<semaphore_mem>>
        %dma_start3A_121 = tpu.memref_squeeze %dma_start3A_120 : memref<1x!tpu.dma_semaphore, #tpu.memory_space<semaphore_mem>> -> memref<!tpu.dma_semaphore, #tpu.memory_space<semaphore_mem>>
        %dma_start3A_122 = tpu.memref_slice %arg4[%mul3A_113] : memref<500000xf32, #tpu.memory_space<hbm>> -> memref<2000xf32, #tpu.memory_space<hbm>>
        tpu.enqueue_dma source(%dma_start3A_122 : memref<2000xf32, #tpu.memory_space<hbm>>) target(%arg12 : memref<2000xf32, #tpu.memory_space<vmem>>) target_semaphore(%dma_start3A_121 : memref<!tpu.dma_semaphore, #tpu.memory_space<semaphore_mem>>)
        %dma_start3A_123 = arith.constant 1 : i32
        %dma_start3A_124 = tpu.memref_slice %arg5[%mul3A_113] : memref<500000xf32, #tpu.memory_space<hbm>> -> memref<2000xf32, #tpu.memory_space<hbm>>
        %dma_start3A_125 = tpu.memref_slice %arg19[%dma_start3A_123] : memref<2x!tpu.dma_semaphore, #tpu.memory_space<semaphore_mem>> -> memref<1x!tpu.dma_semaphore, #tpu.memory_space<semaphore_mem>>
        %dma_start3A_126 = tpu.memref_squeeze %dma_start3A_125 : memref<1x!tpu.dma_semaphore, #tpu.memory_space<semaphore_mem>> -> memref<!tpu.dma_semaphore, #tpu.memory_space<semaphore_mem>>
        %dma_start3A_127 = tpu.memref_slice %arg5[%mul3A_113] : memref<500000xf32, #tpu.memory_space<hbm>> -> memref<2000xf32, #tpu.memory_space<hbm>>
        tpu.enqueue_dma source(%dma_start3A_127 : memref<2000xf32, #tpu.memory_space<hbm>>) target(%arg14 : memref<2000xf32, #tpu.memory_space<vmem>>) target_semaphore(%dma_start3A_126 : memref<!tpu.dma_semaphore, #tpu.memory_space<semaphore_mem>>)
        %dma_start3A_128 = arith.constant 1 : i32
        %dma_start3A_129 = tpu.memref_slice %arg6[%mul3A_113] : memref<500000xi32, #tpu.memory_space<hbm>> -> memref<2000xi32, #tpu.memory_space<hbm>>
        %dma_start3A_130 = tpu.memref_slice %arg19[%dma_start3A_128] : memref<2x!tpu.dma_semaphore, #tpu.memory_space<semaphore_mem>> -> memref<1x!tpu.dma_semaphore, #tpu.memory_space<semaphore_mem>>
        %dma_start3A_131 = tpu.memref_squeeze %dma_start3A_130 : memref<1x!tpu.dma_semaphore, #tpu.memory_space<semaphore_mem>> -> memref<!tpu.dma_semaphore, #tpu.memory_space<semaphore_mem>>
        %dma_start3A_132 = tpu.memref_slice %arg6[%mul3A_113] : memref<500000xi32, #tpu.memory_space<hbm>> -> memref<2000xi32, #tpu.memory_space<hbm>>
        tpu.enqueue_dma source(%dma_start3A_132 : memref<2000xi32, #tpu.memory_space<hbm>>) target(%arg16 : memref<2000xi32, #tpu.memory_space<vmem>>) target_semaphore(%dma_start3A_131 : memref<!tpu.dma_semaphore, #tpu.memory_space<semaphore_mem>>)
      } else {
      }
      %dma_wait3A = arith.constant 0 : i32
      %dma_wait3A_68 = arith.constant 0 : i32
      %dma_wait3A_69 = tpu.memref_slice %arg3[%dma_wait3A_68] : memref<500000xf32, #tpu.memory_space<hbm>> -> memref<2000xf32, #tpu.memory_space<hbm>>
      %dma_wait3A_70 = tpu.memref_slice %arg19[%dma_wait3A] : memref<2x!tpu.dma_semaphore, #tpu.memory_space<semaphore_mem>> -> memref<1x!tpu.dma_semaphore, #tpu.memory_space<semaphore_mem>>
      %dma_wait3A_71 = tpu.memref_squeeze %dma_wait3A_70 : memref<1x!tpu.dma_semaphore, #tpu.memory_space<semaphore_mem>> -> memref<!tpu.dma_semaphore, #tpu.memory_space<semaphore_mem>>
      %dma_wait3A_72 = arith.constant 0 : i32
      %dma_wait3A_73 = tpu.memref_slice %arg3[%dma_wait3A_72] : memref<500000xf32, #tpu.memory_space<hbm>> -> memref<2000xf32, #tpu.memory_space<hbm>>
      tpu.wait_dma2 semaphore(%dma_wait3A_71 : memref<!tpu.dma_semaphore, #tpu.memory_space<semaphore_mem>>) src(%dma_wait3A_73 : memref<2000xf32, #tpu.memory_space<hbm>>) dst(%arg9 : memref<2000xf32, #tpu.memory_space<vmem>>)
      %dma_wait3A_74 = arith.constant 0 : i32
      %dma_wait3A_75 = arith.constant 0 : i32
      %dma_wait3A_76 = tpu.memref_slice %arg4[%dma_wait3A_75] : memref<500000xf32, #tpu.memory_space<hbm>> -> memref<2000xf32, #tpu.memory_space<hbm>>
      %dma_wait3A_77 = tpu.memref_slice %arg19[%dma_wait3A_74] : memref<2x!tpu.dma_semaphore, #tpu.memory_space<semaphore_mem>> -> memref<1x!tpu.dma_semaphore, #tpu.memory_space<semaphore_mem>>
      %dma_wait3A_78 = tpu.memref_squeeze %dma_wait3A_77 : memref<1x!tpu.dma_semaphore, #tpu.memory_space<semaphore_mem>> -> memref<!tpu.dma_semaphore, #tpu.memory_space<semaphore_mem>>
      %dma_wait3A_79 = arith.constant 0 : i32
      %dma_wait3A_80 = tpu.memref_slice %arg4[%dma_wait3A_79] : memref<500000xf32, #tpu.memory_space<hbm>> -> memref<2000xf32, #tpu.memory_space<hbm>>
      tpu.wait_dma2 semaphore(%dma_wait3A_78 : memref<!tpu.dma_semaphore, #tpu.memory_space<semaphore_mem>>) src(%dma_wait3A_80 : memref<2000xf32, #tpu.memory_space<hbm>>) dst(%arg11 : memref<2000xf32, #tpu.memory_space<vmem>>)
      %dma_wait3A_81 = arith.constant 0 : i32
      %dma_wait3A_82 = arith.constant 0 : i32
      %dma_wait3A_83 = tpu.memref_slice %arg5[%dma_wait3A_82] : memref<500000xf32, #tpu.memory_space<hbm>> -> memref<2000xf32, #tpu.memory_space<hbm>>
      %dma_wait3A_84 = tpu.memref_slice %arg19[%dma_wait3A_81] : memref<2x!tpu.dma_semaphore, #tpu.memory_space<semaphore_mem>> -> memref<1x!tpu.dma_semaphore, #tpu.memory_space<semaphore_mem>>
      %dma_wait3A_85 = tpu.memref_squeeze %dma_wait3A_84 : memref<1x!tpu.dma_semaphore, #tpu.memory_space<semaphore_mem>> -> memref<!tpu.dma_semaphore, #tpu.memory_space<semaphore_mem>>
      %dma_wait3A_86 = arith.constant 0 : i32
      %dma_wait3A_87 = tpu.memref_slice %arg5[%dma_wait3A_86] : memref<500000xf32, #tpu.memory_space<hbm>> -> memref<2000xf32, #tpu.memory_space<hbm>>
      tpu.wait_dma2 semaphore(%dma_wait3A_85 : memref<!tpu.dma_semaphore, #tpu.memory_space<semaphore_mem>>) src(%dma_wait3A_87 : memref<2000xf32, #tpu.memory_space<hbm>>) dst(%arg13 : memref<2000xf32, #tpu.memory_space<vmem>>)
      %dma_wait3A_88 = arith.constant 0 : i32
      %dma_wait3A_89 = arith.constant 0 : i32
      %dma_wait3A_90 = tpu.memref_slice %arg6[%dma_wait3A_89] : memref<500000xi32, #tpu.memory_space<hbm>> -> memref<2000xi32, #tpu.memory_space<hbm>>
      %dma_wait3A_91 = tpu.memref_slice %arg19[%dma_wait3A_88] : memref<2x!tpu.dma_semaphore, #tpu.memory_space<semaphore_mem>> -> memref<1x!tpu.dma_semaphore, #tpu.memory_space<semaphore_mem>>
      %dma_wait3A_92 = tpu.memref_squeeze %dma_wait3A_91 : memref<1x!tpu.dma_semaphore, #tpu.memory_space<semaphore_mem>> -> memref<!tpu.dma_semaphore, #tpu.memory_space<semaphore_mem>>
      %dma_wait3A_93 = arith.constant 0 : i32
      %dma_wait3A_94 = tpu.memref_slice %arg6[%dma_wait3A_93] : memref<500000xi32, #tpu.memory_space<hbm>> -> memref<2000xi32, #tpu.memory_space<hbm>>
      tpu.wait_dma2 semaphore(%dma_wait3A_92 : memref<!tpu.dma_semaphore, #tpu.memory_space<semaphore_mem>>) src(%dma_wait3A_94 : memref<2000xi32, #tpu.memory_space<hbm>>) dst(%arg15 : memref<2000xi32, #tpu.memory_space<vmem>>)
      %scan3A = arith.constant 0 : i32
      %scan3A_95 = arith.constant 0 : i32
      %scan3A_96 = arith.constant 125 : i32
      %scan3A_97 = arith.addi %scan3A_95, %scan3A_96 : i32
      %scan3A_98 = arith.constant 1 : i32
      scf.for %scan3A_109 = %scan3A_95 to %scan3A_97 step %scan3A_98  : i32 {
        %mul3A_110 = arith.constant 16 : i32
        %mul3A_111 = arith.muli %scan3A_109, %mul3A_110 : i32
        %get3A = arith.index_cast %mul3A_111 : i32 to index
        %get3A_112 = tpu.vector_load %arg15[%get3A] {strides = array<i32>} : memref<2000xi32, #tpu.memory_space<vmem>>, vector<16xi32>,
        %get3A_113 = arith.index_cast %mul3A_111 : i32 to index
        %get3A_114 = tpu.vector_load %arg9[%get3A_113] {strides = array<i32>} : memref<2000xf32, #tpu.memory_space<vmem>>, vector<16xf32>,
        %get3A_115 = arith.index_cast %mul3A_111 : i32 to index
        %get3A_116 = tpu.vector_load %arg11[%get3A_115] {strides = array<i32>} : memref<2000xf32, #tpu.memory_space<vmem>>, vector<16xf32>,
        %get3A_117 = arith.index_cast %mul3A_111 : i32 to index
        %get3A_118 = tpu.vector_load %arg13[%get3A_117] {strides = array<i32>} : memref<2000xf32, #tpu.memory_space<vmem>>, vector<16xf32>,
        %mul3A_119 = arith.constant 16 : i32
        %mul3A_120 = vector.broadcast %mul3A_119 : i32 to vector<16xi32>
        %mul3A_121 = arith.muli %get3A_112, %mul3A_120 : vector<16xi32>
        %add3A_122 = arith.constant 0 : i32
        %add3A_123 = vector.broadcast %add3A_122 : i32 to vector<16xi32>
        %add3A_124 = arith.addi %mul3A_121, %add3A_123 : vector<16xi32>
        %gather3A = tpu.vector_load_idx %arg8[%add3A_124] : memref<128xf32, #tpu.memory_space<vmem>>[vector<16xi32>], vector<16xf32>,
        %add3A_125 = arith.constant 1 : i32
        %add3A_126 = vector.broadcast %add3A_125 : i32 to vector<16xi32>
        %add3A_127 = arith.addi %mul3A_121, %add3A_126 : vector<16xi32>
        %gather3A_128 = tpu.vector_load_idx %arg8[%add3A_127] : memref<128xf32, #tpu.memory_space<vmem>>[vector<16xi32>], vector<16xf32>,
        %add3A_129 = arith.constant 2 : i32
        %add3A_130 = vector.broadcast %add3A_129 : i32 to vector<16xi32>
        %add3A_131 = arith.addi %mul3A_121, %add3A_130 : vector<16xi32>
        %gather3A_132 = tpu.vector_load_idx %arg8[%add3A_131] : memref<128xf32, #tpu.memory_space<vmem>>[vector<16xi32>], vector<16xf32>,
        %add3A_133 = arith.constant 3 : i32
        %add3A_134 = vector.broadcast %add3A_133 : i32 to vector<16xi32>
        %add3A_135 = arith.addi %mul3A_121, %add3A_134 : vector<16xi32>
        %gather3A_136 = tpu.vector_load_idx %arg8[%add3A_135] : memref<128xf32, #tpu.memory_space<vmem>>[vector<16xi32>], vector<16xf32>,
        %mul3A_137 = arith.mulf %gather3A, %get3A_114 : vector<16xf32>
        %mul3A_138 = arith.mulf %gather3A_128, %get3A_116 : vector<16xf32>
        %add3A_139 = arith.addf %mul3A_137, %mul3A_138 : vector<16xf32>
        %mul3A_140 = arith.mulf %gather3A_132, %get3A_118 : vector<16xf32>
        %add3A_141 = arith.addf %add3A_139, %mul3A_140 : vector<16xf32>
        %add3A_142 = arith.addf %add3A_141, %gather3A_136 : vector<16xf32>
        %add3A_143 = arith.constant 4 : i32
        %add3A_144 = vector.broadcast %add3A_143 : i32 to vector<16xi32>
        %add3A_145 = arith.addi %mul3A_121, %add3A_144 : vector<16xi32>
        %gather3A_146 = tpu.vector_load_idx %arg8[%add3A_145] : memref<128xf32, #tpu.memory_space<vmem>>[vector<16xi32>], vector<16xf32>,
        %add3A_147 = arith.constant 5 : i32
        %add3A_148 = vector.broadcast %add3A_147 : i32 to vector<16xi32>
        %add3A_149 = arith.addi %mul3A_121, %add3A_148 : vector<16xi32>
        %gather3A_150 = tpu.vector_load_idx %arg8[%add3A_149] : memref<128xf32, #tpu.memory_space<vmem>>[vector<16xi32>], vector<16xf32>,
        %add3A_151 = arith.constant 6 : i32
        %add3A_152 = vector.broadcast %add3A_151 : i32 to vector<16xi32>
        %add3A_153 = arith.addi %mul3A_121, %add3A_152 : vector<16xi32>
        %gather3A_154 = tpu.vector_load_idx %arg8[%add3A_153] : memref<128xf32, #tpu.memory_space<vmem>>[vector<16xi32>], vector<16xf32>,
        %add3A_155 = arith.constant 7 : i32
        %add3A_156 = vector.broadcast %add3A_155 : i32 to vector<16xi32>
        %add3A_157 = arith.addi %mul3A_121, %add3A_156 : vector<16xi32>
        %gather3A_158 = tpu.vector_load_idx %arg8[%add3A_157] : memref<128xf32, #tpu.memory_space<vmem>>[vector<16xi32>], vector<16xf32>,
        %mul3A_159 = arith.mulf %gather3A_146, %get3A_114 : vector<16xf32>
        %mul3A_160 = arith.mulf %gather3A_150, %get3A_116 : vector<16xf32>
        %add3A_161 = arith.addf %mul3A_159, %mul3A_160 : vector<16xf32>
        %mul3A_162 = arith.mulf %gather3A_154, %get3A_118 : vector<16xf32>
        %add3A_163 = arith.addf %add3A_161, %mul3A_162 : vector<16xf32>
        %add3A_164 = arith.addf %add3A_163, %gather3A_158 : vector<16xf32>
        %add3A_165 = arith.constant 8 : i32
        %add3A_166 = vector.broadcast %add3A_165 : i32 to vector<16xi32>
        %add3A_167 = arith.addi %mul3A_121, %add3A_166 : vector<16xi32>
        %gather3A_168 = tpu.vector_load_idx %arg8[%add3A_167] : memref<128xf32, #tpu.memory_space<vmem>>[vector<16xi32>], vector<16xf32>,
        %add3A_169 = arith.constant 9 : i32
        %add3A_170 = vector.broadcast %add3A_169 : i32 to vector<16xi32>
        %add3A_171 = arith.addi %mul3A_121, %add3A_170 : vector<16xi32>
        %gather3A_172 = tpu.vector_load_idx %arg8[%add3A_171] : memref<128xf32, #tpu.memory_space<vmem>>[vector<16xi32>], vector<16xf32>,
        %add3A_173 = arith.constant 10 : i32
        %add3A_174 = vector.broadcast %add3A_173 : i32 to vector<16xi32>
        %add3A_175 = arith.addi %mul3A_121, %add3A_174 : vector<16xi32>
        %gather3A_176 = tpu.vector_load_idx %arg8[%add3A_175] : memref<128xf32, #tpu.memory_space<vmem>>[vector<16xi32>], vector<16xf32>,
        %add3A_177 = arith.constant 11 : i32
        %add3A_178 = vector.broadcast %add3A_177 : i32 to vector<16xi32>
        %add3A_179 = arith.addi %mul3A_121, %add3A_178 : vector<16xi32>
        %gather3A_180 = tpu.vector_load_idx %arg8[%add3A_179] : memref<128xf32, #tpu.memory_space<vmem>>[vector<16xi32>], vector<16xf32>,
        %mul3A_181 = arith.mulf %gather3A_168, %get3A_114 : vector<16xf32>
        %mul3A_182 = arith.mulf %gather3A_172, %get3A_116 : vector<16xf32>
        %add3A_183 = arith.addf %mul3A_181, %mul3A_182 : vector<16xf32>
        %mul3A_184 = arith.mulf %gather3A_176, %get3A_118 : vector<16xf32>
        %add3A_185 = arith.addf %add3A_183, %mul3A_184 : vector<16xf32>
        %add3A_186 = arith.addf %add3A_185, %gather3A_180 : vector<16xf32>
        %mul3A_187 = arith.constant 1.600000e+01 : f32
        %mul3A_188 = vector.broadcast %mul3A_187 : f32 to vector<16xf32>
        %mul3A_189 = arith.mulf %add3A_142, %mul3A_188 : vector<16xf32>
        %mul3A_190 = arith.constant 1.600000e+01 : f32
        %mul3A_191 = vector.broadcast %mul3A_190 : f32 to vector<16xf32>
        %mul3A_192 = arith.mulf %add3A_164, %mul3A_191 : vector<16xf32>
        %mul3A_193 = arith.constant 1.600000e+01 : f32
        %mul3A_194 = vector.broadcast %mul3A_193 : f32 to vector<16xf32>
        %mul3A_195 = arith.mulf %add3A_186, %mul3A_194 : vector<16xf32>
        %ge3A = arith.constant 0.000000e+00 : f32
        %ge3A_196 = vector.broadcast %ge3A : f32 to vector<16xf32>
        %ge3A_197 = arith.cmpf oge, %mul3A_189, %ge3A_196 : vector<16xf32>
        %lt3A_198 = arith.constant 9.600000e+01 : f32
        %lt3A_199 = vector.broadcast %lt3A_198 : f32 to vector<16xf32>
        %lt3A_200 = arith.cmpf olt, %mul3A_189, %lt3A_199 : vector<16xf32>
        %and3A_201 = arith.andi %ge3A_197, %lt3A_200 : vector<16xi1>
        %ge3A_202 = arith.constant 0.000000e+00 : f32
        %ge3A_203 = vector.broadcast %ge3A_202 : f32 to vector<16xf32>
        %ge3A_204 = arith.cmpf oge, %mul3A_192, %ge3A_203 : vector<16xf32>
        %and3A_205 = arith.andi %and3A_201, %ge3A_204 : vector<16xi1>
        %lt3A_206 = arith.constant 9.600000e+01 : f32
        %lt3A_207 = vector.broadcast %lt3A_206 : f32 to vector<16xf32>
        %lt3A_208 = arith.cmpf olt, %mul3A_192, %lt3A_207 : vector<16xf32>
        %and3A_209 = arith.andi %and3A_205, %lt3A_208 : vector<16xi1>
        %ge3A_210 = arith.constant 0.000000e+00 : f32
        %ge3A_211 = vector.broadcast %ge3A_210 : f32 to vector<16xf32>
        %ge3A_212 = arith.cmpf oge, %mul3A_195, %ge3A_211 : vector<16xf32>
        %and3A_213 = arith.andi %and3A_209, %ge3A_212 : vector<16xi1>
        %lt3A_214 = arith.constant 4.800000e+01 : f32
        %lt3A_215 = vector.broadcast %lt3A_214 : f32 to vector<16xf32>
        %lt3A_216 = arith.cmpf olt, %mul3A_195, %lt3A_215 : vector<16xf32>
        %and3A_217 = arith.andi %and3A_213, %lt3A_216 : vector<16xi1>
        %jit3A_218 = arith.constant 1.000000e+00 : f32
        %jit3A_219 = arith.constant 0.000000e+00 : f32
        %broadcast_in_dim3A = vector.broadcast %jit3A_218 : f32 to vector<16xf32>
        %broadcast_in_dim3A_220 = vector.broadcast %jit3A_219 : f32 to vector<16xf32>
        %select_n3A_221 = arith.select %and3A_217, %broadcast_in_dim3A, %broadcast_in_dim3A_220 : vector<16xi1>, vector<16xf32>
        %swap3A = arith.index_cast %mul3A_111 : i32 to index
        %swap3A_222 = tpu.vector_load %arg17[%swap3A] {strides = array<i32>} : memref<2000xf32, #tpu.memory_space<vmem>>, vector<16xf32>,
        tpu.vector_store %arg17[%swap3A], %select_n3A_221 {strides = array<i32>} : memref<2000xf32, #tpu.memory_space<vmem>>, vector<16xf32>,
      }
      %scan3A_99 = arith.constant 125 : i32
      %mul3A_100 = arith.constant 32 : i32
      %mul3A_101 = arith.muli %mul3A_62, %mul3A_100 : i32
      %add3A_102 = arith.addi %add3A, %mul3A_101 : i32
      %mul3A_103 = arith.constant 2000 : i32
      %mul3A_104 = arith.muli %add3A_102, %mul3A_103 : i32
      "tpu.region"() ({
        %run_scoped3A = tpu.sem_alloc : memref<!tpu.dma_semaphore, #tpu.memory_space<semaphore_mem>>
        %dma_start3A = tpu.memref_slice %arg7[%mul3A_104] : memref<500000xf32, #tpu.memory_space<hbm>> -> memref<2000xf32, #tpu.memory_space<hbm>>
        %dma_start3A_109 = tpu.memref_slice %arg7[%mul3A_104] : memref<500000xf32, #tpu.memory_space<hbm>> -> memref<2000xf32, #tpu.memory_space<hbm>>
        tpu.enqueue_dma source(%arg17 : memref<2000xf32, #tpu.memory_space<vmem>>) target(%dma_start3A_109 : memref<2000xf32, #tpu.memory_space<hbm>>) target_semaphore(%run_scoped3A : memref<!tpu.dma_semaphore, #tpu.memory_space<semaphore_mem>>)
        %dma_wait3A_110 = tpu.memref_slice %arg7[%mul3A_104] : memref<500000xf32, #tpu.memory_space<hbm>> -> memref<2000xf32, #tpu.memory_space<hbm>>
        %dma_wait3A_111 = tpu.memref_slice %arg7[%mul3A_104] : memref<500000xf32, #tpu.memory_space<hbm>> -> memref<2000xf32, #tpu.memory_space<hbm>>
        tpu.wait_dma2 semaphore(%run_scoped3A : memref<!tpu.dma_semaphore, #tpu.memory_space<semaphore_mem>>) src(%arg17 : memref<2000xf32, #tpu.memory_space<vmem>>) dst(%dma_wait3A_111 : memref<2000xf32, #tpu.memory_space<hbm>>)
        tpu.yield
      }) : () -> ()
      %lt3A_105 = arith.cmpi slt, %add3A_64, %select_n3A : i32
      %convert_element_type3A_106 = arith.extui %lt3A_105 : i1 to i32
      %cond3A_107 = arith.constant 0 : i32
      %cond3A_108 = arith.cmpi ne, %convert_element_type3A_106, %cond3A_107 : i32
      scf.if %cond3A_108 {
        %add3A_109 = arith.constant 1 : i32
        %add3A_110 = arith.addi %add3A_64, %add3A_109 : i32
        %lt3A_111 = arith.cmpi slt, %add3A_110, %select_n3A : i32
        %convert_element_type3A_112 = arith.extui %lt3A_111 : i1 to i32
        %cond3A_113 = arith.constant 0 : i32
        %cond3A_114 = arith.cmpi ne, %convert_element_type3A_112, %cond3A_113 : i32
        scf.if %cond3A_114 {
          %add3A_154 = arith.constant 1 : i32
          %add3A_155 = arith.addi %add3A_64, %add3A_154 : i32
          %mul3A_156 = arith.constant 32 : i32
          %mul3A_157 = arith.muli %add3A_155, %mul3A_156 : i32
          %add3A_158 = arith.addi %add3A, %mul3A_157 : i32
          %mul3A_159 = arith.constant 2000 : i32
          %mul3A_160 = arith.muli %add3A_158, %mul3A_159 : i32
          %dma_start3A = arith.constant 0 : i32
          %dma_start3A_161 = tpu.memref_slice %arg3[%mul3A_160] : memref<500000xf32, #tpu.memory_space<hbm>> -> memref<2000xf32, #tpu.memory_space<hbm>>
          %dma_start3A_162 = tpu.memref_slice %arg19[%dma_start3A] : memref<2x!tpu.dma_semaphore, #tpu.memory_space<semaphore_mem>> -> memref<1x!tpu.dma_semaphore, #tpu.memory_space<semaphore_mem>>
          %dma_start3A_163 = tpu.memref_squeeze %dma_start3A_162 : memref<1x!tpu.dma_semaphore, #tpu.memory_space<semaphore_mem>> -> memref<!tpu.dma_semaphore, #tpu.memory_space<semaphore_mem>>
          %dma_start3A_164 = tpu.memref_slice %arg3[%mul3A_160] : memref<500000xf32, #tpu.memory_space<hbm>> -> memref<2000xf32, #tpu.memory_space<hbm>>
          tpu.enqueue_dma source(%dma_start3A_164 : memref<2000xf32, #tpu.memory_space<hbm>>) target(%arg9 : memref<2000xf32, #tpu.memory_space<vmem>>) target_semaphore(%dma_start3A_163 : memref<!tpu.dma_semaphore, #tpu.memory_space<semaphore_mem>>)
          %dma_start3A_165 = arith.constant 0 : i32
          %dma_start3A_166 = tpu.memref_slice %arg4[%mul3A_160] : memref<500000xf32, #tpu.memory_space<hbm>> -> memref<2000xf32, #tpu.memory_space<hbm>>
          %dma_start3A_167 = tpu.memref_slice %arg19[%dma_start3A_165] : memref<2x!tpu.dma_semaphore, #tpu.memory_space<semaphore_mem>> -> memref<1x!tpu.dma_semaphore, #tpu.memory_space<semaphore_mem>>
          %dma_start3A_168 = tpu.memref_squeeze %dma_start3A_167 : memref<1x!tpu.dma_semaphore, #tpu.memory_space<semaphore_mem>> -> memref<!tpu.dma_semaphore, #tpu.memory_space<semaphore_mem>>
          %dma_start3A_169 = tpu.memref_slice %arg4[%mul3A_160] : memref<500000xf32, #tpu.memory_space<hbm>> -> memref<2000xf32, #tpu.memory_space<hbm>>
          tpu.enqueue_dma source(%dma_start3A_169 : memref<2000xf32, #tpu.memory_space<hbm>>) target(%arg11 : memref<2000xf32, #tpu.memory_space<vmem>>) target_semaphore(%dma_start3A_168 : memref<!tpu.dma_semaphore, #tpu.memory_space<semaphore_mem>>)
          %dma_start3A_170 = arith.constant 0 : i32
          %dma_start3A_171 = tpu.memref_slice %arg5[%mul3A_160] : memref<500000xf32, #tpu.memory_space<hbm>> -> memref<2000xf32, #tpu.memory_space<hbm>>
          %dma_start3A_172 = tpu.memref_slice %arg19[%dma_start3A_170] : memref<2x!tpu.dma_semaphore, #tpu.memory_space<semaphore_mem>> -> memref<1x!tpu.dma_semaphore, #tpu.memory_space<semaphore_mem>>
          %dma_start3A_173 = tpu.memref_squeeze %dma_start3A_172 : memref<1x!tpu.dma_semaphore, #tpu.memory_space<semaphore_mem>> -> memref<!tpu.dma_semaphore, #tpu.memory_space<semaphore_mem>>
          %dma_start3A_174 = tpu.memref_slice %arg5[%mul3A_160] : memref<500000xf32, #tpu.memory_space<hbm>> -> memref<2000xf32, #tpu.memory_space<hbm>>
          tpu.enqueue_dma source(%dma_start3A_174 : memref<2000xf32, #tpu.memory_space<hbm>>) target(%arg13 : memref<2000xf32, #tpu.memory_space<vmem>>) target_semaphore(%dma_start3A_173 : memref<!tpu.dma_semaphore, #tpu.memory_space<semaphore_mem>>)
          %dma_start3A_175 = arith.constant 0 : i32
          %dma_start3A_176 = tpu.memref_slice %arg6[%mul3A_160] : memref<500000xi32, #tpu.memory_space<hbm>> -> memref<2000xi32, #tpu.memory_space<hbm>>
          %dma_start3A_177 = tpu.memref_slice %arg19[%dma_start3A_175] : memref<2x!tpu.dma_semaphore, #tpu.memory_space<semaphore_mem>> -> memref<1x!tpu.dma_semaphore, #tpu.memory_space<semaphore_mem>>
          %dma_start3A_178 = tpu.memref_squeeze %dma_start3A_177 : memref<1x!tpu.dma_semaphore, #tpu.memory_space<semaphore_mem>> -> memref<!tpu.dma_semaphore, #tpu.memory_space<semaphore_mem>>
          %dma_start3A_179 = tpu.memref_slice %arg6[%mul3A_160] : memref<500000xi32, #tpu.memory_space<hbm>> -> memref<2000xi32, #tpu.memory_space<hbm>>
          tpu.enqueue_dma source(%dma_start3A_179 : memref<2000xi32, #tpu.memory_space<hbm>>) target(%arg15 : memref<2000xi32, #tpu.memory_space<vmem>>) target_semaphore(%dma_start3A_178 : memref<!tpu.dma_semaphore, #tpu.memory_space<semaphore_mem>>)
        } else {
        }
        %dma_wait3A_115 = arith.constant 1 : i32
        %dma_wait3A_116 = arith.constant 0 : i32
        %dma_wait3A_117 = tpu.memref_slice %arg3[%dma_wait3A_116] : memref<500000xf32, #tpu.memory_space<hbm>> -> memref<2000xf32, #tpu.memory_space<hbm>>
        %dma_wait3A_118 = tpu.memref_slice %arg19[%dma_wait3A_115] : memref<2x!tpu.dma_semaphore, #tpu.memory_space<semaphore_mem>> -> memref<1x!tpu.dma_semaphore, #tpu.memory_space<semaphore_mem>>
        %dma_wait3A_119 = tpu.memref_squeeze %dma_wait3A_118 : memref<1x!tpu.dma_semaphore, #tpu.memory_space<semaphore_mem>> -> memref<!tpu.dma_semaphore, #tpu.memory_space<semaphore_mem>>
        %dma_wait3A_120 = arith.constant 0 : i32
        %dma_wait3A_121 = tpu.memref_slice %arg3[%dma_wait3A_120] : memref<500000xf32, #tpu.memory_space<hbm>> -> memref<2000xf32, #tpu.memory_space<hbm>>
        tpu.wait_dma2 semaphore(%dma_wait3A_119 : memref<!tpu.dma_semaphore, #tpu.memory_space<semaphore_mem>>) src(%dma_wait3A_121 : memref<2000xf32, #tpu.memory_space<hbm>>) dst(%arg10 : memref<2000xf32, #tpu.memory_space<vmem>>)
        %dma_wait3A_122 = arith.constant 1 : i32
        %dma_wait3A_123 = arith.constant 0 : i32
        %dma_wait3A_124 = tpu.memref_slice %arg4[%dma_wait3A_123] : memref<500000xf32, #tpu.memory_space<hbm>> -> memref<2000xf32, #tpu.memory_space<hbm>>
        %dma_wait3A_125 = tpu.memref_slice %arg19[%dma_wait3A_122] : memref<2x!tpu.dma_semaphore, #tpu.memory_space<semaphore_mem>> -> memref<1x!tpu.dma_semaphore, #tpu.memory_space<semaphore_mem>>
        %dma_wait3A_126 = tpu.memref_squeeze %dma_wait3A_125 : memref<1x!tpu.dma_semaphore, #tpu.memory_space<semaphore_mem>> -> memref<!tpu.dma_semaphore, #tpu.memory_space<semaphore_mem>>
        %dma_wait3A_127 = arith.constant 0 : i32
        %dma_wait3A_128 = tpu.memref_slice %arg4[%dma_wait3A_127] : memref<500000xf32, #tpu.memory_space<hbm>> -> memref<2000xf32, #tpu.memory_space<hbm>>
        tpu.wait_dma2 semaphore(%dma_wait3A_126 : memref<!tpu.dma_semaphore, #tpu.memory_space<semaphore_mem>>) src(%dma_wait3A_128 : memref<2000xf32, #tpu.memory_space<hbm>>) dst(%arg12 : memref<2000xf32, #tpu.memory_space<vmem>>)
        %dma_wait3A_129 = arith.constant 1 : i32
        %dma_wait3A_130 = arith.constant 0 : i32
        %dma_wait3A_131 = tpu.memref_slice %arg5[%dma_wait3A_130] : memref<500000xf32, #tpu.memory_space<hbm>> -> memref<2000xf32, #tpu.memory_space<hbm>>
        %dma_wait3A_132 = tpu.memref_slice %arg19[%dma_wait3A_129] : memref<2x!tpu.dma_semaphore, #tpu.memory_space<semaphore_mem>> -> memref<1x!tpu.dma_semaphore, #tpu.memory_space<semaphore_mem>>
        %dma_wait3A_133 = tpu.memref_squeeze %dma_wait3A_132 : memref<1x!tpu.dma_semaphore, #tpu.memory_space<semaphore_mem>> -> memref<!tpu.dma_semaphore, #tpu.memory_space<semaphore_mem>>
        %dma_wait3A_134 = arith.constant 0 : i32
        %dma_wait3A_135 = tpu.memref_slice %arg5[%dma_wait3A_134] : memref<500000xf32, #tpu.memory_space<hbm>> -> memref<2000xf32, #tpu.memory_space<hbm>>
        tpu.wait_dma2 semaphore(%dma_wait3A_133 : memref<!tpu.dma_semaphore, #tpu.memory_space<semaphore_mem>>) src(%dma_wait3A_135 : memref<2000xf32, #tpu.memory_space<hbm>>) dst(%arg14 : memref<2000xf32, #tpu.memory_space<vmem>>)
        %dma_wait3A_136 = arith.constant 1 : i32
        %dma_wait3A_137 = arith.constant 0 : i32
        %dma_wait3A_138 = tpu.memref_slice %arg6[%dma_wait3A_137] : memref<500000xi32, #tpu.memory_space<hbm>> -> memref<2000xi32, #tpu.memory_space<hbm>>
        %dma_wait3A_139 = tpu.memref_slice %arg19[%dma_wait3A_136] : memref<2x!tpu.dma_semaphore, #tpu.memory_space<semaphore_mem>> -> memref<1x!tpu.dma_semaphore, #tpu.memory_space<semaphore_mem>>
        %dma_wait3A_140 = tpu.memref_squeeze %dma_wait3A_139 : memref<1x!tpu.dma_semaphore, #tpu.memory_space<semaphore_mem>> -> memref<!tpu.dma_semaphore, #tpu.memory_space<semaphore_mem>>
        %dma_wait3A_141 = arith.constant 0 : i32
        %dma_wait3A_142 = tpu.memref_slice %arg6[%dma_wait3A_141] : memref<500000xi32, #tpu.memory_space<hbm>> -> memref<2000xi32, #tpu.memory_space<hbm>>
        tpu.wait_dma2 semaphore(%dma_wait3A_140 : memref<!tpu.dma_semaphore, #tpu.memory_space<semaphore_mem>>) src(%dma_wait3A_142 : memref<2000xi32, #tpu.memory_space<hbm>>) dst(%arg16 : memref<2000xi32, #tpu.memory_space<vmem>>)
        %scan3A_143 = arith.constant 0 : i32
        %scan3A_144 = arith.constant 0 : i32
        %scan3A_145 = arith.constant 125 : i32
        %scan3A_146 = arith.addi %scan3A_144, %scan3A_145 : i32
        %scan3A_147 = arith.constant 1 : i32
        scf.for %scan3A_154 = %scan3A_144 to %scan3A_146 step %scan3A_147  : i32 {
          %mul3A_155 = arith.constant 16 : i32
          %mul3A_156 = arith.muli %scan3A_154, %mul3A_155 : i32
          %get3A = arith.index_cast %mul3A_156 : i32 to index
          %get3A_157 = tpu.vector_load %arg16[%get3A] {strides = array<i32>} : memref<2000xi32, #tpu.memory_space<vmem>>, vector<16xi32>,
          %get3A_158 = arith.index_cast %mul3A_156 : i32 to index
          %get3A_159 = tpu.vector_load %arg10[%get3A_158] {strides = array<i32>} : memref<2000xf32, #tpu.memory_space<vmem>>, vector<16xf32>,
          %get3A_160 = arith.index_cast %mul3A_156 : i32 to index
          %get3A_161 = tpu.vector_load %arg12[%get3A_160] {strides = array<i32>} : memref<2000xf32, #tpu.memory_space<vmem>>, vector<16xf32>,
          %get3A_162 = arith.index_cast %mul3A_156 : i32 to index
          %get3A_163 = tpu.vector_load %arg14[%get3A_162] {strides = array<i32>} : memref<2000xf32, #tpu.memory_space<vmem>>, vector<16xf32>,
          %mul3A_164 = arith.constant 16 : i32
          %mul3A_165 = vector.broadcast %mul3A_164 : i32 to vector<16xi32>
          %mul3A_166 = arith.muli %get3A_157, %mul3A_165 : vector<16xi32>
          %add3A_167 = arith.constant 0 : i32
          %add3A_168 = vector.broadcast %add3A_167 : i32 to vector<16xi32>
          %add3A_169 = arith.addi %mul3A_166, %add3A_168 : vector<16xi32>
          %gather3A = tpu.vector_load_idx %arg8[%add3A_169] : memref<128xf32, #tpu.memory_space<vmem>>[vector<16xi32>], vector<16xf32>,
          %add3A_170 = arith.constant 1 : i32
          %add3A_171 = vector.broadcast %add3A_170 : i32 to vector<16xi32>
          %add3A_172 = arith.addi %mul3A_166, %add3A_171 : vector<16xi32>
          %gather3A_173 = tpu.vector_load_idx %arg8[%add3A_172] : memref<128xf32, #tpu.memory_space<vmem>>[vector<16xi32>], vector<16xf32>,
          %add3A_174 = arith.constant 2 : i32
          %add3A_175 = vector.broadcast %add3A_174 : i32 to vector<16xi32>
          %add3A_176 = arith.addi %mul3A_166, %add3A_175 : vector<16xi32>
          %gather3A_177 = tpu.vector_load_idx %arg8[%add3A_176] : memref<128xf32, #tpu.memory_space<vmem>>[vector<16xi32>], vector<16xf32>,
          %add3A_178 = arith.constant 3 : i32
          %add3A_179 = vector.broadcast %add3A_178 : i32 to vector<16xi32>
          %add3A_180 = arith.addi %mul3A_166, %add3A_179 : vector<16xi32>
          %gather3A_181 = tpu.vector_load_idx %arg8[%add3A_180] : memref<128xf32, #tpu.memory_space<vmem>>[vector<16xi32>], vector<16xf32>,
          %mul3A_182 = arith.mulf %gather3A, %get3A_159 : vector<16xf32>
          %mul3A_183 = arith.mulf %gather3A_173, %get3A_161 : vector<16xf32>
          %add3A_184 = arith.addf %mul3A_182, %mul3A_183 : vector<16xf32>
          %mul3A_185 = arith.mulf %gather3A_177, %get3A_163 : vector<16xf32>
          %add3A_186 = arith.addf %add3A_184, %mul3A_185 : vector<16xf32>
          %add3A_187 = arith.addf %add3A_186, %gather3A_181 : vector<16xf32>
          %add3A_188 = arith.constant 4 : i32
          %add3A_189 = vector.broadcast %add3A_188 : i32 to vector<16xi32>
          %add3A_190 = arith.addi %mul3A_166, %add3A_189 : vector<16xi32>
          %gather3A_191 = tpu.vector_load_idx %arg8[%add3A_190] : memref<128xf32, #tpu.memory_space<vmem>>[vector<16xi32>], vector<16xf32>,
          %add3A_192 = arith.constant 5 : i32
          %add3A_193 = vector.broadcast %add3A_192 : i32 to vector<16xi32>
          %add3A_194 = arith.addi %mul3A_166, %add3A_193 : vector<16xi32>
          %gather3A_195 = tpu.vector_load_idx %arg8[%add3A_194] : memref<128xf32, #tpu.memory_space<vmem>>[vector<16xi32>], vector<16xf32>,
          %add3A_196 = arith.constant 6 : i32
          %add3A_197 = vector.broadcast %add3A_196 : i32 to vector<16xi32>
          %add3A_198 = arith.addi %mul3A_166, %add3A_197 : vector<16xi32>
          %gather3A_199 = tpu.vector_load_idx %arg8[%add3A_198] : memref<128xf32, #tpu.memory_space<vmem>>[vector<16xi32>], vector<16xf32>,
          %add3A_200 = arith.constant 7 : i32
          %add3A_201 = vector.broadcast %add3A_200 : i32 to vector<16xi32>
          %add3A_202 = arith.addi %mul3A_166, %add3A_201 : vector<16xi32>
          %gather3A_203 = tpu.vector_load_idx %arg8[%add3A_202] : memref<128xf32, #tpu.memory_space<vmem>>[vector<16xi32>], vector<16xf32>,
          %mul3A_204 = arith.mulf %gather3A_191, %get3A_159 : vector<16xf32>
          %mul3A_205 = arith.mulf %gather3A_195, %get3A_161 : vector<16xf32>
          %add3A_206 = arith.addf %mul3A_204, %mul3A_205 : vector<16xf32>
          %mul3A_207 = arith.mulf %gather3A_199, %get3A_163 : vector<16xf32>
          %add3A_208 = arith.addf %add3A_206, %mul3A_207 : vector<16xf32>
          %add3A_209 = arith.addf %add3A_208, %gather3A_203 : vector<16xf32>
          %add3A_210 = arith.constant 8 : i32
          %add3A_211 = vector.broadcast %add3A_210 : i32 to vector<16xi32>
          %add3A_212 = arith.addi %mul3A_166, %add3A_211 : vector<16xi32>
          %gather3A_213 = tpu.vector_load_idx %arg8[%add3A_212] : memref<128xf32, #tpu.memory_space<vmem>>[vector<16xi32>], vector<16xf32>,
          %add3A_214 = arith.constant 9 : i32
          %add3A_215 = vector.broadcast %add3A_214 : i32 to vector<16xi32>
          %add3A_216 = arith.addi %mul3A_166, %add3A_215 : vector<16xi32>
          %gather3A_217 = tpu.vector_load_idx %arg8[%add3A_216] : memref<128xf32, #tpu.memory_space<vmem>>[vector<16xi32>], vector<16xf32>,
          %add3A_218 = arith.constant 10 : i32
          %add3A_219 = vector.broadcast %add3A_218 : i32 to vector<16xi32>
          %add3A_220 = arith.addi %mul3A_166, %add3A_219 : vector<16xi32>
          %gather3A_221 = tpu.vector_load_idx %arg8[%add3A_220] : memref<128xf32, #tpu.memory_space<vmem>>[vector<16xi32>], vector<16xf32>,
          %add3A_222 = arith.constant 11 : i32
          %add3A_223 = vector.broadcast %add3A_222 : i32 to vector<16xi32>
          %add3A_224 = arith.addi %mul3A_166, %add3A_223 : vector<16xi32>
          %gather3A_225 = tpu.vector_load_idx %arg8[%add3A_224] : memref<128xf32, #tpu.memory_space<vmem>>[vector<16xi32>], vector<16xf32>,
          %mul3A_226 = arith.mulf %gather3A_213, %get3A_159 : vector<16xf32>
          %mul3A_227 = arith.mulf %gather3A_217, %get3A_161 : vector<16xf32>
          %add3A_228 = arith.addf %mul3A_226, %mul3A_227 : vector<16xf32>
          %mul3A_229 = arith.mulf %gather3A_221, %get3A_163 : vector<16xf32>
          %add3A_230 = arith.addf %add3A_228, %mul3A_229 : vector<16xf32>
          %add3A_231 = arith.addf %add3A_230, %gather3A_225 : vector<16xf32>
          %mul3A_232 = arith.constant 1.600000e+01 : f32
          %mul3A_233 = vector.broadcast %mul3A_232 : f32 to vector<16xf32>
          %mul3A_234 = arith.mulf %add3A_187, %mul3A_233 : vector<16xf32>
          %mul3A_235 = arith.constant 1.600000e+01 : f32
          %mul3A_236 = vector.broadcast %mul3A_235 : f32 to vector<16xf32>
          %mul3A_237 = arith.mulf %add3A_209, %mul3A_236 : vector<16xf32>
          %mul3A_238 = arith.constant 1.600000e+01 : f32
          %mul3A_239 = vector.broadcast %mul3A_238 : f32 to vector<16xf32>
          %mul3A_240 = arith.mulf %add3A_231, %mul3A_239 : vector<16xf32>
          %ge3A = arith.constant 0.000000e+00 : f32
          %ge3A_241 = vector.broadcast %ge3A : f32 to vector<16xf32>
          %ge3A_242 = arith.cmpf oge, %mul3A_234, %ge3A_241 : vector<16xf32>
          %lt3A_243 = arith.constant 9.600000e+01 : f32
          %lt3A_244 = vector.broadcast %lt3A_243 : f32 to vector<16xf32>
          %lt3A_245 = arith.cmpf olt, %mul3A_234, %lt3A_244 : vector<16xf32>
          %and3A_246 = arith.andi %ge3A_242, %lt3A_245 : vector<16xi1>
          %ge3A_247 = arith.constant 0.000000e+00 : f32
          %ge3A_248 = vector.broadcast %ge3A_247 : f32 to vector<16xf32>
          %ge3A_249 = arith.cmpf oge, %mul3A_237, %ge3A_248 : vector<16xf32>
          %and3A_250 = arith.andi %and3A_246, %ge3A_249 : vector<16xi1>
          %lt3A_251 = arith.constant 9.600000e+01 : f32
          %lt3A_252 = vector.broadcast %lt3A_251 : f32 to vector<16xf32>
          %lt3A_253 = arith.cmpf olt, %mul3A_237, %lt3A_252 : vector<16xf32>
          %and3A_254 = arith.andi %and3A_250, %lt3A_253 : vector<16xi1>
          %ge3A_255 = arith.constant 0.000000e+00 : f32
          %ge3A_256 = vector.broadcast %ge3A_255 : f32 to vector<16xf32>
          %ge3A_257 = arith.cmpf oge, %mul3A_240, %ge3A_256 : vector<16xf32>
          %and3A_258 = arith.andi %and3A_254, %ge3A_257 : vector<16xi1>
          %lt3A_259 = arith.constant 4.800000e+01 : f32
          %lt3A_260 = vector.broadcast %lt3A_259 : f32 to vector<16xf32>
          %lt3A_261 = arith.cmpf olt, %mul3A_240, %lt3A_260 : vector<16xf32>
          %and3A_262 = arith.andi %and3A_258, %lt3A_261 : vector<16xi1>
          %jit3A_263 = arith.constant 1.000000e+00 : f32
          %jit3A_264 = arith.constant 0.000000e+00 : f32
          %broadcast_in_dim3A = vector.broadcast %jit3A_263 : f32 to vector<16xf32>
          %broadcast_in_dim3A_265 = vector.broadcast %jit3A_264 : f32 to vector<16xf32>
          %select_n3A_266 = arith.select %and3A_262, %broadcast_in_dim3A, %broadcast_in_dim3A_265 : vector<16xi1>, vector<16xf32>
          %swap3A = arith.index_cast %mul3A_156 : i32 to index
          %swap3A_267 = tpu.vector_load %arg18[%swap3A] {strides = array<i32>} : memref<2000xf32, #tpu.memory_space<vmem>>, vector<16xf32>,
          tpu.vector_store %arg18[%swap3A], %select_n3A_266 {strides = array<i32>} : memref<2000xf32, #tpu.memory_space<vmem>>, vector<16xf32>,
        }
        %scan3A_148 = arith.constant 125 : i32
        %mul3A_149 = arith.constant 32 : i32
        %mul3A_150 = arith.muli %add3A_64, %mul3A_149 : i32
        %add3A_151 = arith.addi %add3A, %mul3A_150 : i32
        %mul3A_152 = arith.constant 2000 : i32
        %mul3A_153 = arith.muli %add3A_151, %mul3A_152 : i32
        "tpu.region"() ({
          %run_scoped3A = tpu.sem_alloc : memref<!tpu.dma_semaphore, #tpu.memory_space<semaphore_mem>>
          %dma_start3A = tpu.memref_slice %arg7[%mul3A_153] : memref<500000xf32, #tpu.memory_space<hbm>> -> memref<2000xf32, #tpu.memory_space<hbm>>
          %dma_start3A_154 = tpu.memref_slice %arg7[%mul3A_153] : memref<500000xf32, #tpu.memory_space<hbm>> -> memref<2000xf32, #tpu.memory_space<hbm>>
          tpu.enqueue_dma source(%arg18 : memref<2000xf32, #tpu.memory_space<vmem>>) target(%dma_start3A_154 : memref<2000xf32, #tpu.memory_space<hbm>>) target_semaphore(%run_scoped3A : memref<!tpu.dma_semaphore, #tpu.memory_space<semaphore_mem>>)
          %dma_wait3A_155 = tpu.memref_slice %arg7[%mul3A_153] : memref<500000xf32, #tpu.memory_space<hbm>> -> memref<2000xf32, #tpu.memory_space<hbm>>
          %dma_wait3A_156 = tpu.memref_slice %arg7[%mul3A_153] : memref<500000xf32, #tpu.memory_space<hbm>> -> memref<2000xf32, #tpu.memory_space<hbm>>
          tpu.wait_dma2 semaphore(%run_scoped3A : memref<!tpu.dma_semaphore, #tpu.memory_space<semaphore_mem>>) src(%arg18 : memref<2000xf32, #tpu.memory_space<vmem>>) dst(%dma_wait3A_156 : memref<2000xf32, #tpu.memory_space<hbm>>)
          tpu.yield
        }) : () -> ()
      } else {
      }
    }
    return
  }
}

module attributes {stable_mosaic.version = 14 : i64} {
  func.func @_feat_body(%arg0: i32, %arg1: memref<8x16xf32, #tpu.memory_space<smem>>, %arg2: memref<16384xi32, #tpu.memory_space<vmem>>, %arg3: memref<16384xf32, #tpu.memory_space<vmem>>, %arg4: memref<16384xf32, #tpu.memory_space<vmem>>, %arg5: memref<16384xf32, #tpu.memory_space<vmem>>, %arg6: memref<64x16384xf32, #tpu.memory_space<vmem>>, %arg7: memref<64x16384xf32, #tpu.memory_space<vmem>>, %arg8: memref<3x16384xf32, #tpu.memory_space<vmem>>) attributes {dimension_semantics = [#tpu.dimension_semantics<arbitrary>], iteration_bounds = array<i64: 31>, scalar_prefetch = 0 : i64, scratch_operands = 0 : i64, tpu.core_type = #tpu.core_type<tc>, window_params = [{transform_indices = @transform_0, window_bounds = array<i64: 8, 16>}, {transform_indices = @transform_1, window_bounds = array<i64: 16384>}, {transform_indices = @transform_2, window_bounds = array<i64: 16384>}, {transform_indices = @transform_3, window_bounds = array<i64: 16384>}, {transform_indices = @transform_4, window_bounds = array<i64: 16384>}, {transform_indices = @transform_5, window_bounds = array<i64: 64, 16384>}, {transform_indices = @transform_6, window_bounds = array<i64: 64, 16384>}, {transform_indices = @transform_7, window_bounds = array<i64: 3, 16384>}]} {
    %get3A = arith.constant 0 : index
    %get3A_0 = vector.load %arg2[%get3A] : memref<16384xi32, #tpu.memory_space<vmem>>, vector<16384xi32>
    %get3A_1 = arith.constant 0 : index
    %get3A_2 = vector.load %arg3[%get3A_1] : memref<16384xf32, #tpu.memory_space<vmem>>, vector<16384xf32>
    %get3A_3 = arith.constant 0 : index
    %get3A_4 = vector.load %arg4[%get3A_3] : memref<16384xf32, #tpu.memory_space<vmem>>, vector<16384xf32>
    %get3A_5 = arith.constant 0 : index
    %get3A_6 = vector.load %arg5[%get3A_5] : memref<16384xf32, #tpu.memory_space<vmem>>, vector<16384xf32>
    %get3A_7 = arith.constant 7 : index
    %get3A_8 = arith.constant 0 : index
    %get3A_9 = memref.load %arg1[%get3A_7, %get3A_8] : memref<8x16xf32, #tpu.memory_space<smem>>
    %broadcast_in_dim3A = vector.broadcast %get3A_9 : f32 to vector<16384xf32>
    %eq3A = arith.constant 6 : i32
    %eq3A_10 = vector.broadcast %eq3A : i32 to vector<16384xi32>
    %eq3A_11 = arith.cmpi eq, %get3A_0, %eq3A_10 : vector<16384xi32>
    %get3A_12 = arith.constant 6 : index
    %get3A_13 = arith.constant 0 : index
    %get3A_14 = memref.load %arg1[%get3A_12, %get3A_13] : memref<8x16xf32, #tpu.memory_space<smem>>
    %broadcast_in_dim3A_15 = vector.broadcast %get3A_14 : f32 to vector<16384xf32>
    %select_n3A = arith.select %eq3A_11, %broadcast_in_dim3A_15, %broadcast_in_dim3A : vector<16384xi1>, vector<16384xf32>
    %eq3A_16 = arith.constant 5 : i32
    %eq3A_17 = vector.broadcast %eq3A_16 : i32 to vector<16384xi32>
    %eq3A_18 = arith.cmpi eq, %get3A_0, %eq3A_17 : vector<16384xi32>
    %get3A_19 = arith.constant 5 : index
    %get3A_20 = arith.constant 0 : index
    %get3A_21 = memref.load %arg1[%get3A_19, %get3A_20] : memref<8x16xf32, #tpu.memory_space<smem>>
    %broadcast_in_dim3A_22 = vector.broadcast %get3A_21 : f32 to vector<16384xf32>
    %select_n3A_23 = arith.select %eq3A_18, %broadcast_in_dim3A_22, %select_n3A : vector<16384xi1>, vector<16384xf32>
    %eq3A_24 = arith.constant 4 : i32
    %eq3A_25 = vector.broadcast %eq3A_24 : i32 to vector<16384xi32>
    %eq3A_26 = arith.cmpi eq, %get3A_0, %eq3A_25 : vector<16384xi32>
    %get3A_27 = arith.constant 4 : index
    %get3A_28 = arith.constant 0 : index
    %get3A_29 = memref.load %arg1[%get3A_27, %get3A_28] : memref<8x16xf32, #tpu.memory_space<smem>>
    %broadcast_in_dim3A_30 = vector.broadcast %get3A_29 : f32 to vector<16384xf32>
    %select_n3A_31 = arith.select %eq3A_26, %broadcast_in_dim3A_30, %select_n3A_23 : vector<16384xi1>, vector<16384xf32>
    %eq3A_32 = arith.constant 3 : i32
    %eq3A_33 = vector.broadcast %eq3A_32 : i32 to vector<16384xi32>
    %eq3A_34 = arith.cmpi eq, %get3A_0, %eq3A_33 : vector<16384xi32>
    %get3A_35 = arith.constant 3 : index
    %get3A_36 = arith.constant 0 : index
    %get3A_37 = memref.load %arg1[%get3A_35, %get3A_36] : memref<8x16xf32, #tpu.memory_space<smem>>
    %broadcast_in_dim3A_38 = vector.broadcast %get3A_37 : f32 to vector<16384xf32>
    %select_n3A_39 = arith.select %eq3A_34, %broadcast_in_dim3A_38, %select_n3A_31 : vector<16384xi1>, vector<16384xf32>
    %eq3A_40 = arith.constant 2 : i32
    %eq3A_41 = vector.broadcast %eq3A_40 : i32 to vector<16384xi32>
    %eq3A_42 = arith.cmpi eq, %get3A_0, %eq3A_41 : vector<16384xi32>
    %get3A_43 = arith.constant 2 : index
    %get3A_44 = arith.constant 0 : index
    %get3A_45 = memref.load %arg1[%get3A_43, %get3A_44] : memref<8x16xf32, #tpu.memory_space<smem>>
    %broadcast_in_dim3A_46 = vector.broadcast %get3A_45 : f32 to vector<16384xf32>
    %select_n3A_47 = arith.select %eq3A_42, %broadcast_in_dim3A_46, %select_n3A_39 : vector<16384xi1>, vector<16384xf32>
    %eq3A_48 = arith.constant 1 : i32
    %eq3A_49 = vector.broadcast %eq3A_48 : i32 to vector<16384xi32>
    %eq3A_50 = arith.cmpi eq, %get3A_0, %eq3A_49 : vector<16384xi32>
    %get3A_51 = arith.constant 1 : index
    %get3A_52 = arith.constant 0 : index
    %get3A_53 = memref.load %arg1[%get3A_51, %get3A_52] : memref<8x16xf32, #tpu.memory_space<smem>>
    %broadcast_in_dim3A_54 = vector.broadcast %get3A_53 : f32 to vector<16384xf32>
    %select_n3A_55 = arith.select %eq3A_50, %broadcast_in_dim3A_54, %select_n3A_47 : vector<16384xi1>, vector<16384xf32>
    %eq3A_56 = arith.constant 0 : i32
    %eq3A_57 = vector.broadcast %eq3A_56 : i32 to vector<16384xi32>
    %eq3A_58 = arith.cmpi eq, %get3A_0, %eq3A_57 : vector<16384xi32>
    %get3A_59 = arith.constant 0 : index
    %get3A_60 = arith.constant 0 : index
    %get3A_61 = memref.load %arg1[%get3A_59, %get3A_60] : memref<8x16xf32, #tpu.memory_space<smem>>
    %broadcast_in_dim3A_62 = vector.broadcast %get3A_61 : f32 to vector<16384xf32>
    %select_n3A_63 = arith.select %eq3A_58, %broadcast_in_dim3A_62, %select_n3A_55 : vector<16384xi1>, vector<16384xf32>
    %mul3A = arith.mulf %select_n3A_63, %get3A_2 : vector<16384xf32>
    %get3A_64 = arith.constant 7 : index
    %get3A_65 = arith.constant 1 : index
    %get3A_66 = memref.load %arg1[%get3A_64, %get3A_65] : memref<8x16xf32, #tpu.memory_space<smem>>
    %broadcast_in_dim3A_67 = vector.broadcast %get3A_66 : f32 to vector<16384xf32>
    %eq3A_68 = arith.constant 6 : i32
    %eq3A_69 = vector.broadcast %eq3A_68 : i32 to vector<16384xi32>
    %eq3A_70 = arith.cmpi eq, %get3A_0, %eq3A_69 : vector<16384xi32>
    %get3A_71 = arith.constant 6 : index
    %get3A_72 = arith.constant 1 : index
    %get3A_73 = memref.load %arg1[%get3A_71, %get3A_72] : memref<8x16xf32, #tpu.memory_space<smem>>
    %broadcast_in_dim3A_74 = vector.broadcast %get3A_73 : f32 to vector<16384xf32>
    %select_n3A_75 = arith.select %eq3A_70, %broadcast_in_dim3A_74, %broadcast_in_dim3A_67 : vector<16384xi1>, vector<16384xf32>
    %eq3A_76 = arith.constant 5 : i32
    %eq3A_77 = vector.broadcast %eq3A_76 : i32 to vector<16384xi32>
    %eq3A_78 = arith.cmpi eq, %get3A_0, %eq3A_77 : vector<16384xi32>
    %get3A_79 = arith.constant 5 : index
    %get3A_80 = arith.constant 1 : index
    %get3A_81 = memref.load %arg1[%get3A_79, %get3A_80] : memref<8x16xf32, #tpu.memory_space<smem>>
    %broadcast_in_dim3A_82 = vector.broadcast %get3A_81 : f32 to vector<16384xf32>
    %select_n3A_83 = arith.select %eq3A_78, %broadcast_in_dim3A_82, %select_n3A_75 : vector<16384xi1>, vector<16384xf32>
    %eq3A_84 = arith.constant 4 : i32
    %eq3A_85 = vector.broadcast %eq3A_84 : i32 to vector<16384xi32>
    %eq3A_86 = arith.cmpi eq, %get3A_0, %eq3A_85 : vector<16384xi32>
    %get3A_87 = arith.constant 4 : index
    %get3A_88 = arith.constant 1 : index
    %get3A_89 = memref.load %arg1[%get3A_87, %get3A_88] : memref<8x16xf32, #tpu.memory_space<smem>>
    %broadcast_in_dim3A_90 = vector.broadcast %get3A_89 : f32 to vector<16384xf32>
    %select_n3A_91 = arith.select %eq3A_86, %broadcast_in_dim3A_90, %select_n3A_83 : vector<16384xi1>, vector<16384xf32>
    %eq3A_92 = arith.constant 3 : i32
    %eq3A_93 = vector.broadcast %eq3A_92 : i32 to vector<16384xi32>
    %eq3A_94 = arith.cmpi eq, %get3A_0, %eq3A_93 : vector<16384xi32>
    %get3A_95 = arith.constant 3 : index
    %get3A_96 = arith.constant 1 : index
    %get3A_97 = memref.load %arg1[%get3A_95, %get3A_96] : memref<8x16xf32, #tpu.memory_space<smem>>
    %broadcast_in_dim3A_98 = vector.broadcast %get3A_97 : f32 to vector<16384xf32>
    %select_n3A_99 = arith.select %eq3A_94, %broadcast_in_dim3A_98, %select_n3A_91 : vector<16384xi1>, vector<16384xf32>
    %eq3A_100 = arith.constant 2 : i32
    %eq3A_101 = vector.broadcast %eq3A_100 : i32 to vector<16384xi32>
    %eq3A_102 = arith.cmpi eq, %get3A_0, %eq3A_101 : vector<16384xi32>
    %get3A_103 = arith.constant 2 : index
    %get3A_104 = arith.constant 1 : index
    %get3A_105 = memref.load %arg1[%get3A_103, %get3A_104] : memref<8x16xf32, #tpu.memory_space<smem>>
    %broadcast_in_dim3A_106 = vector.broadcast %get3A_105 : f32 to vector<16384xf32>
    %select_n3A_107 = arith.select %eq3A_102, %broadcast_in_dim3A_106, %select_n3A_99 : vector<16384xi1>, vector<16384xf32>
    %eq3A_108 = arith.constant 1 : i32
    %eq3A_109 = vector.broadcast %eq3A_108 : i32 to vector<16384xi32>
    %eq3A_110 = arith.cmpi eq, %get3A_0, %eq3A_109 : vector<16384xi32>
    %get3A_111 = arith.constant 1 : index
    %get3A_112 = arith.constant 1 : index
    %get3A_113 = memref.load %arg1[%get3A_111, %get3A_112] : memref<8x16xf32, #tpu.memory_space<smem>>
    %broadcast_in_dim3A_114 = vector.broadcast %get3A_113 : f32 to vector<16384xf32>
    %select_n3A_115 = arith.select %eq3A_110, %broadcast_in_dim3A_114, %select_n3A_107 : vector<16384xi1>, vector<16384xf32>
    %eq3A_116 = arith.constant 0 : i32
    %eq3A_117 = vector.broadcast %eq3A_116 : i32 to vector<16384xi32>
    %eq3A_118 = arith.cmpi eq, %get3A_0, %eq3A_117 : vector<16384xi32>
    %get3A_119 = arith.constant 0 : index
    %get3A_120 = arith.constant 1 : index
    %get3A_121 = memref.load %arg1[%get3A_119, %get3A_120] : memref<8x16xf32, #tpu.memory_space<smem>>
    %broadcast_in_dim3A_122 = vector.broadcast %get3A_121 : f32 to vector<16384xf32>
    %select_n3A_123 = arith.select %eq3A_118, %broadcast_in_dim3A_122, %select_n3A_115 : vector<16384xi1>, vector<16384xf32>
    %mul3A_124 = arith.mulf %select_n3A_123, %get3A_4 : vector<16384xf32>
    %add3A = arith.addf %mul3A, %mul3A_124 : vector<16384xf32>
    %get3A_125 = arith.constant 7 : index
    %get3A_126 = arith.constant 2 : index
    %get3A_127 = memref.load %arg1[%get3A_125, %get3A_126] : memref<8x16xf32, #tpu.memory_space<smem>>
    %broadcast_in_dim3A_128 = vector.broadcast %get3A_127 : f32 to vector<16384xf32>
    %eq3A_129 = arith.constant 6 : i32
    %eq3A_130 = vector.broadcast %eq3A_129 : i32 to vector<16384xi32>
    %eq3A_131 = arith.cmpi eq, %get3A_0, %eq3A_130 : vector<16384xi32>
    %get3A_132 = arith.constant 6 : index
    %get3A_133 = arith.constant 2 : index
    %get3A_134 = memref.load %arg1[%get3A_132, %get3A_133] : memref<8x16xf32, #tpu.memory_space<smem>>
    %broadcast_in_dim3A_135 = vector.broadcast %get3A_134 : f32 to vector<16384xf32>
    %select_n3A_136 = arith.select %eq3A_131, %broadcast_in_dim3A_135, %broadcast_in_dim3A_128 : vector<16384xi1>, vector<16384xf32>
    %eq3A_137 = arith.constant 5 : i32
    %eq3A_138 = vector.broadcast %eq3A_137 : i32 to vector<16384xi32>
    %eq3A_139 = arith.cmpi eq, %get3A_0, %eq3A_138 : vector<16384xi32>
    %get3A_140 = arith.constant 5 : index
    %get3A_141 = arith.constant 2 : index
    %get3A_142 = memref.load %arg1[%get3A_140, %get3A_141] : memref<8x16xf32, #tpu.memory_space<smem>>
    %broadcast_in_dim3A_143 = vector.broadcast %get3A_142 : f32 to vector<16384xf32>
    %select_n3A_144 = arith.select %eq3A_139, %broadcast_in_dim3A_143, %select_n3A_136 : vector<16384xi1>, vector<16384xf32>
    %eq3A_145 = arith.constant 4 : i32
    %eq3A_146 = vector.broadcast %eq3A_145 : i32 to vector<16384xi32>
    %eq3A_147 = arith.cmpi eq, %get3A_0, %eq3A_146 : vector<16384xi32>
    %get3A_148 = arith.constant 4 : index
    %get3A_149 = arith.constant 2 : index
    %get3A_150 = memref.load %arg1[%get3A_148, %get3A_149] : memref<8x16xf32, #tpu.memory_space<smem>>
    %broadcast_in_dim3A_151 = vector.broadcast %get3A_150 : f32 to vector<16384xf32>
    %select_n3A_152 = arith.select %eq3A_147, %broadcast_in_dim3A_151, %select_n3A_144 : vector<16384xi1>, vector<16384xf32>
    %eq3A_153 = arith.constant 3 : i32
    %eq3A_154 = vector.broadcast %eq3A_153 : i32 to vector<16384xi32>
    %eq3A_155 = arith.cmpi eq, %get3A_0, %eq3A_154 : vector<16384xi32>
    %get3A_156 = arith.constant 3 : index
    %get3A_157 = arith.constant 2 : index
    %get3A_158 = memref.load %arg1[%get3A_156, %get3A_157] : memref<8x16xf32, #tpu.memory_space<smem>>
    %broadcast_in_dim3A_159 = vector.broadcast %get3A_158 : f32 to vector<16384xf32>
    %select_n3A_160 = arith.select %eq3A_155, %broadcast_in_dim3A_159, %select_n3A_152 : vector<16384xi1>, vector<16384xf32>
    %eq3A_161 = arith.constant 2 : i32
    %eq3A_162 = vector.broadcast %eq3A_161 : i32 to vector<16384xi32>
    %eq3A_163 = arith.cmpi eq, %get3A_0, %eq3A_162 : vector<16384xi32>
    %get3A_164 = arith.constant 2 : index
    %get3A_165 = arith.constant 2 : index
    %get3A_166 = memref.load %arg1[%get3A_164, %get3A_165] : memref<8x16xf32, #tpu.memory_space<smem>>
    %broadcast_in_dim3A_167 = vector.broadcast %get3A_166 : f32 to vector<16384xf32>
    %select_n3A_168 = arith.select %eq3A_163, %broadcast_in_dim3A_167, %select_n3A_160 : vector<16384xi1>, vector<16384xf32>
    %eq3A_169 = arith.constant 1 : i32
    %eq3A_170 = vector.broadcast %eq3A_169 : i32 to vector<16384xi32>
    %eq3A_171 = arith.cmpi eq, %get3A_0, %eq3A_170 : vector<16384xi32>
    %get3A_172 = arith.constant 1 : index
    %get3A_173 = arith.constant 2 : index
    %get3A_174 = memref.load %arg1[%get3A_172, %get3A_173] : memref<8x16xf32, #tpu.memory_space<smem>>
    %broadcast_in_dim3A_175 = vector.broadcast %get3A_174 : f32 to vector<16384xf32>
    %select_n3A_176 = arith.select %eq3A_171, %broadcast_in_dim3A_175, %select_n3A_168 : vector<16384xi1>, vector<16384xf32>
    %eq3A_177 = arith.constant 0 : i32
    %eq3A_178 = vector.broadcast %eq3A_177 : i32 to vector<16384xi32>
    %eq3A_179 = arith.cmpi eq, %get3A_0, %eq3A_178 : vector<16384xi32>
    %get3A_180 = arith.constant 0 : index
    %get3A_181 = arith.constant 2 : index
    %get3A_182 = memref.load %arg1[%get3A_180, %get3A_181] : memref<8x16xf32, #tpu.memory_space<smem>>
    %broadcast_in_dim3A_183 = vector.broadcast %get3A_182 : f32 to vector<16384xf32>
    %select_n3A_184 = arith.select %eq3A_179, %broadcast_in_dim3A_183, %select_n3A_176 : vector<16384xi1>, vector<16384xf32>
    %mul3A_185 = arith.mulf %select_n3A_184, %get3A_6 : vector<16384xf32>
    %add3A_186 = arith.addf %add3A, %mul3A_185 : vector<16384xf32>
    %get3A_187 = arith.constant 7 : index
    %get3A_188 = arith.constant 3 : index
    %get3A_189 = memref.load %arg1[%get3A_187, %get3A_188] : memref<8x16xf32, #tpu.memory_space<smem>>
    %broadcast_in_dim3A_190 = vector.broadcast %get3A_189 : f32 to vector<16384xf32>
    %eq3A_191 = arith.constant 6 : i32
    %eq3A_192 = vector.broadcast %eq3A_191 : i32 to vector<16384xi32>
    %eq3A_193 = arith.cmpi eq, %get3A_0, %eq3A_192 : vector<16384xi32>
    %get3A_194 = arith.constant 6 : index
    %get3A_195 = arith.constant 3 : index
    %get3A_196 = memref.load %arg1[%get3A_194, %get3A_195] : memref<8x16xf32, #tpu.memory_space<smem>>
    %broadcast_in_dim3A_197 = vector.broadcast %get3A_196 : f32 to vector<16384xf32>
    %select_n3A_198 = arith.select %eq3A_193, %broadcast_in_dim3A_197, %broadcast_in_dim3A_190 : vector<16384xi1>, vector<16384xf32>
    %eq3A_199 = arith.constant 5 : i32
    %eq3A_200 = vector.broadcast %eq3A_199 : i32 to vector<16384xi32>
    %eq3A_201 = arith.cmpi eq, %get3A_0, %eq3A_200 : vector<16384xi32>
    %get3A_202 = arith.constant 5 : index
    %get3A_203 = arith.constant 3 : index
    %get3A_204 = memref.load %arg1[%get3A_202, %get3A_203] : memref<8x16xf32, #tpu.memory_space<smem>>
    %broadcast_in_dim3A_205 = vector.broadcast %get3A_204 : f32 to vector<16384xf32>
    %select_n3A_206 = arith.select %eq3A_201, %broadcast_in_dim3A_205, %select_n3A_198 : vector<16384xi1>, vector<16384xf32>
    %eq3A_207 = arith.constant 4 : i32
    %eq3A_208 = vector.broadcast %eq3A_207 : i32 to vector<16384xi32>
    %eq3A_209 = arith.cmpi eq, %get3A_0, %eq3A_208 : vector<16384xi32>
    %get3A_210 = arith.constant 4 : index
    %get3A_211 = arith.constant 3 : index
    %get3A_212 = memref.load %arg1[%get3A_210, %get3A_211] : memref<8x16xf32, #tpu.memory_space<smem>>
    %broadcast_in_dim3A_213 = vector.broadcast %get3A_212 : f32 to vector<16384xf32>
    %select_n3A_214 = arith.select %eq3A_209, %broadcast_in_dim3A_213, %select_n3A_206 : vector<16384xi1>, vector<16384xf32>
    %eq3A_215 = arith.constant 3 : i32
    %eq3A_216 = vector.broadcast %eq3A_215 : i32 to vector<16384xi32>
    %eq3A_217 = arith.cmpi eq, %get3A_0, %eq3A_216 : vector<16384xi32>
    %get3A_218 = arith.constant 3 : index
    %get3A_219 = arith.constant 3 : index
    %get3A_220 = memref.load %arg1[%get3A_218, %get3A_219] : memref<8x16xf32, #tpu.memory_space<smem>>
    %broadcast_in_dim3A_221 = vector.broadcast %get3A_220 : f32 to vector<16384xf32>
    %select_n3A_222 = arith.select %eq3A_217, %broadcast_in_dim3A_221, %select_n3A_214 : vector<16384xi1>, vector<16384xf32>
    %eq3A_223 = arith.constant 2 : i32
    %eq3A_224 = vector.broadcast %eq3A_223 : i32 to vector<16384xi32>
    %eq3A_225 = arith.cmpi eq, %get3A_0, %eq3A_224 : vector<16384xi32>
    %get3A_226 = arith.constant 2 : index
    %get3A_227 = arith.constant 3 : index
    %get3A_228 = memref.load %arg1[%get3A_226, %get3A_227] : memref<8x16xf32, #tpu.memory_space<smem>>
    %broadcast_in_dim3A_229 = vector.broadcast %get3A_228 : f32 to vector<16384xf32>
    %select_n3A_230 = arith.select %eq3A_225, %broadcast_in_dim3A_229, %select_n3A_222 : vector<16384xi1>, vector<16384xf32>
    %eq3A_231 = arith.constant 1 : i32
    %eq3A_232 = vector.broadcast %eq3A_231 : i32 to vector<16384xi32>
    %eq3A_233 = arith.cmpi eq, %get3A_0, %eq3A_232 : vector<16384xi32>
    %get3A_234 = arith.constant 1 : index
    %get3A_235 = arith.constant 3 : index
    %get3A_236 = memref.load %arg1[%get3A_234, %get3A_235] : memref<8x16xf32, #tpu.memory_space<smem>>
    %broadcast_in_dim3A_237 = vector.broadcast %get3A_236 : f32 to vector<16384xf32>
    %select_n3A_238 = arith.select %eq3A_233, %broadcast_in_dim3A_237, %select_n3A_230 : vector<16384xi1>, vector<16384xf32>
    %eq3A_239 = arith.constant 0 : i32
    %eq3A_240 = vector.broadcast %eq3A_239 : i32 to vector<16384xi32>
    %eq3A_241 = arith.cmpi eq, %get3A_0, %eq3A_240 : vector<16384xi32>
    %get3A_242 = arith.constant 0 : index
    %get3A_243 = arith.constant 3 : index
    %get3A_244 = memref.load %arg1[%get3A_242, %get3A_243] : memref<8x16xf32, #tpu.memory_space<smem>>
    %broadcast_in_dim3A_245 = vector.broadcast %get3A_244 : f32 to vector<16384xf32>
    %select_n3A_246 = arith.select %eq3A_241, %broadcast_in_dim3A_245, %select_n3A_238 : vector<16384xi1>, vector<16384xf32>
    %add3A_247 = arith.addf %add3A_186, %select_n3A_246 : vector<16384xf32>
    %get3A_248 = arith.constant 7 : index
    %get3A_249 = arith.constant 4 : index
    %get3A_250 = memref.load %arg1[%get3A_248, %get3A_249] : memref<8x16xf32, #tpu.memory_space<smem>>
    %broadcast_in_dim3A_251 = vector.broadcast %get3A_250 : f32 to vector<16384xf32>
    %eq3A_252 = arith.constant 6 : i32
    %eq3A_253 = vector.broadcast %eq3A_252 : i32 to vector<16384xi32>
    %eq3A_254 = arith.cmpi eq, %get3A_0, %eq3A_253 : vector<16384xi32>
    %get3A_255 = arith.constant 6 : index
    %get3A_256 = arith.constant 4 : index
    %get3A_257 = memref.load %arg1[%get3A_255, %get3A_256] : memref<8x16xf32, #tpu.memory_space<smem>>
    %broadcast_in_dim3A_258 = vector.broadcast %get3A_257 : f32 to vector<16384xf32>
    %select_n3A_259 = arith.select %eq3A_254, %broadcast_in_dim3A_258, %broadcast_in_dim3A_251 : vector<16384xi1>, vector<16384xf32>
    %eq3A_260 = arith.constant 5 : i32
    %eq3A_261 = vector.broadcast %eq3A_260 : i32 to vector<16384xi32>
    %eq3A_262 = arith.cmpi eq, %get3A_0, %eq3A_261 : vector<16384xi32>
    %get3A_263 = arith.constant 5 : index
    %get3A_264 = arith.constant 4 : index
    %get3A_265 = memref.load %arg1[%get3A_263, %get3A_264] : memref<8x16xf32, #tpu.memory_space<smem>>
    %broadcast_in_dim3A_266 = vector.broadcast %get3A_265 : f32 to vector<16384xf32>
    %select_n3A_267 = arith.select %eq3A_262, %broadcast_in_dim3A_266, %select_n3A_259 : vector<16384xi1>, vector<16384xf32>
    %eq3A_268 = arith.constant 4 : i32
    %eq3A_269 = vector.broadcast %eq3A_268 : i32 to vector<16384xi32>
    %eq3A_270 = arith.cmpi eq, %get3A_0, %eq3A_269 : vector<16384xi32>
    %get3A_271 = arith.constant 4 : index
    %get3A_272 = arith.constant 4 : index
    %get3A_273 = memref.load %arg1[%get3A_271, %get3A_272] : memref<8x16xf32, #tpu.memory_space<smem>>
    %broadcast_in_dim3A_274 = vector.broadcast %get3A_273 : f32 to vector<16384xf32>
    %select_n3A_275 = arith.select %eq3A_270, %broadcast_in_dim3A_274, %select_n3A_267 : vector<16384xi1>, vector<16384xf32>
    %eq3A_276 = arith.constant 3 : i32
    %eq3A_277 = vector.broadcast %eq3A_276 : i32 to vector<16384xi32>
    %eq3A_278 = arith.cmpi eq, %get3A_0, %eq3A_277 : vector<16384xi32>
    %get3A_279 = arith.constant 3 : index
    %get3A_280 = arith.constant 4 : index
    %get3A_281 = memref.load %arg1[%get3A_279, %get3A_280] : memref<8x16xf32, #tpu.memory_space<smem>>
    %broadcast_in_dim3A_282 = vector.broadcast %get3A_281 : f32 to vector<16384xf32>
    %select_n3A_283 = arith.select %eq3A_278, %broadcast_in_dim3A_282, %select_n3A_275 : vector<16384xi1>, vector<16384xf32>
    %eq3A_284 = arith.constant 2 : i32
    %eq3A_285 = vector.broadcast %eq3A_284 : i32 to vector<16384xi32>
    %eq3A_286 = arith.cmpi eq, %get3A_0, %eq3A_285 : vector<16384xi32>
    %get3A_287 = arith.constant 2 : index
    %get3A_288 = arith.constant 4 : index
    %get3A_289 = memref.load %arg1[%get3A_287, %get3A_288] : memref<8x16xf32, #tpu.memory_space<smem>>
    %broadcast_in_dim3A_290 = vector.broadcast %get3A_289 : f32 to vector<16384xf32>
    %select_n3A_291 = arith.select %eq3A_286, %broadcast_in_dim3A_290, %select_n3A_283 : vector<16384xi1>, vector<16384xf32>
    %eq3A_292 = arith.constant 1 : i32
    %eq3A_293 = vector.broadcast %eq3A_292 : i32 to vector<16384xi32>
    %eq3A_294 = arith.cmpi eq, %get3A_0, %eq3A_293 : vector<16384xi32>
    %get3A_295 = arith.constant 1 : index
    %get3A_296 = arith.constant 4 : index
    %get3A_297 = memref.load %arg1[%get3A_295, %get3A_296] : memref<8x16xf32, #tpu.memory_space<smem>>
    %broadcast_in_dim3A_298 = vector.broadcast %get3A_297 : f32 to vector<16384xf32>
    %select_n3A_299 = arith.select %eq3A_294, %broadcast_in_dim3A_298, %select_n3A_291 : vector<16384xi1>, vector<16384xf32>
    %eq3A_300 = arith.constant 0 : i32
    %eq3A_301 = vector.broadcast %eq3A_300 : i32 to vector<16384xi32>
    %eq3A_302 = arith.cmpi eq, %get3A_0, %eq3A_301 : vector<16384xi32>
    %get3A_303 = arith.constant 0 : index
    %get3A_304 = arith.constant 4 : index
    %get3A_305 = memref.load %arg1[%get3A_303, %get3A_304] : memref<8x16xf32, #tpu.memory_space<smem>>
    %broadcast_in_dim3A_306 = vector.broadcast %get3A_305 : f32 to vector<16384xf32>
    %select_n3A_307 = arith.select %eq3A_302, %broadcast_in_dim3A_306, %select_n3A_299 : vector<16384xi1>, vector<16384xf32>
    %mul3A_308 = arith.mulf %select_n3A_307, %get3A_2 : vector<16384xf32>
    %get3A_309 = arith.constant 7 : index
    %get3A_310 = arith.constant 5 : index
    %get3A_311 = memref.load %arg1[%get3A_309, %get3A_310] : memref<8x16xf32, #tpu.memory_space<smem>>
    %broadcast_in_dim3A_312 = vector.broadcast %get3A_311 : f32 to vector<16384xf32>
    %eq3A_313 = arith.constant 6 : i32
    %eq3A_314 = vector.broadcast %eq3A_313 : i32 to vector<16384xi32>
    %eq3A_315 = arith.cmpi eq, %get3A_0, %eq3A_314 : vector<16384xi32>
    %get3A_316 = arith.constant 6 : index
    %get3A_317 = arith.constant 5 : index
    %get3A_318 = memref.load %arg1[%get3A_316, %get3A_317] : memref<8x16xf32, #tpu.memory_space<smem>>
    %broadcast_in_dim3A_319 = vector.broadcast %get3A_318 : f32 to vector<16384xf32>
    %select_n3A_320 = arith.select %eq3A_315, %broadcast_in_dim3A_319, %broadcast_in_dim3A_312 : vector<16384xi1>, vector<16384xf32>
    %eq3A_321 = arith.constant 5 : i32
    %eq3A_322 = vector.broadcast %eq3A_321 : i32 to vector<16384xi32>
    %eq3A_323 = arith.cmpi eq, %get3A_0, %eq3A_322 : vector<16384xi32>
    %get3A_324 = arith.constant 5 : index
    %get3A_325 = arith.constant 5 : index
    %get3A_326 = memref.load %arg1[%get3A_324, %get3A_325] : memref<8x16xf32, #tpu.memory_space<smem>>
    %broadcast_in_dim3A_327 = vector.broadcast %get3A_326 : f32 to vector<16384xf32>
    %select_n3A_328 = arith.select %eq3A_323, %broadcast_in_dim3A_327, %select_n3A_320 : vector<16384xi1>, vector<16384xf32>
    %eq3A_329 = arith.constant 4 : i32
    %eq3A_330 = vector.broadcast %eq3A_329 : i32 to vector<16384xi32>
    %eq3A_331 = arith.cmpi eq, %get3A_0, %eq3A_330 : vector<16384xi32>
    %get3A_332 = arith.constant 4 : index
    %get3A_333 = arith.constant 5 : index
    %get3A_334 = memref.load %arg1[%get3A_332, %get3A_333] : memref<8x16xf32, #tpu.memory_space<smem>>
    %broadcast_in_dim3A_335 = vector.broadcast %get3A_334 : f32 to vector<16384xf32>
    %select_n3A_336 = arith.select %eq3A_331, %broadcast_in_dim3A_335, %select_n3A_328 : vector<16384xi1>, vector<16384xf32>
    %eq3A_337 = arith.constant 3 : i32
    %eq3A_338 = vector.broadcast %eq3A_337 : i32 to vector<16384xi32>
    %eq3A_339 = arith.cmpi eq, %get3A_0, %eq3A_338 : vector<16384xi32>
    %get3A_340 = arith.constant 3 : index
    %get3A_341 = arith.constant 5 : index
    %get3A_342 = memref.load %arg1[%get3A_340, %get3A_341] : memref<8x16xf32, #tpu.memory_space<smem>>
    %broadcast_in_dim3A_343 = vector.broadcast %get3A_342 : f32 to vector<16384xf32>
    %select_n3A_344 = arith.select %eq3A_339, %broadcast_in_dim3A_343, %select_n3A_336 : vector<16384xi1>, vector<16384xf32>
    %eq3A_345 = arith.constant 2 : i32
    %eq3A_346 = vector.broadcast %eq3A_345 : i32 to vector<16384xi32>
    %eq3A_347 = arith.cmpi eq, %get3A_0, %eq3A_346 : vector<16384xi32>
    %get3A_348 = arith.constant 2 : index
    %get3A_349 = arith.constant 5 : index
    %get3A_350 = memref.load %arg1[%get3A_348, %get3A_349] : memref<8x16xf32, #tpu.memory_space<smem>>
    %broadcast_in_dim3A_351 = vector.broadcast %get3A_350 : f32 to vector<16384xf32>
    %select_n3A_352 = arith.select %eq3A_347, %broadcast_in_dim3A_351, %select_n3A_344 : vector<16384xi1>, vector<16384xf32>
    %eq3A_353 = arith.constant 1 : i32
    %eq3A_354 = vector.broadcast %eq3A_353 : i32 to vector<16384xi32>
    %eq3A_355 = arith.cmpi eq, %get3A_0, %eq3A_354 : vector<16384xi32>
    %get3A_356 = arith.constant 1 : index
    %get3A_357 = arith.constant 5 : index
    %get3A_358 = memref.load %arg1[%get3A_356, %get3A_357] : memref<8x16xf32, #tpu.memory_space<smem>>
    %broadcast_in_dim3A_359 = vector.broadcast %get3A_358 : f32 to vector<16384xf32>
    %select_n3A_360 = arith.select %eq3A_355, %broadcast_in_dim3A_359, %select_n3A_352 : vector<16384xi1>, vector<16384xf32>
    %eq3A_361 = arith.constant 0 : i32
    %eq3A_362 = vector.broadcast %eq3A_361 : i32 to vector<16384xi32>
    %eq3A_363 = arith.cmpi eq, %get3A_0, %eq3A_362 : vector<16384xi32>
    %get3A_364 = arith.constant 0 : index
    %get3A_365 = arith.constant 5 : index
    %get3A_366 = memref.load %arg1[%get3A_364, %get3A_365] : memref<8x16xf32, #tpu.memory_space<smem>>
    %broadcast_in_dim3A_367 = vector.broadcast %get3A_366 : f32 to vector<16384xf32>
    %select_n3A_368 = arith.select %eq3A_363, %broadcast_in_dim3A_367, %select_n3A_360 : vector<16384xi1>, vector<16384xf32>
    %mul3A_369 = arith.mulf %select_n3A_368, %get3A_4 : vector<16384xf32>
    %add3A_370 = arith.addf %mul3A_308, %mul3A_369 : vector<16384xf32>
    %get3A_371 = arith.constant 7 : index
    %get3A_372 = arith.constant 6 : index
    %get3A_373 = memref.load %arg1[%get3A_371, %get3A_372] : memref<8x16xf32, #tpu.memory_space<smem>>
    %broadcast_in_dim3A_374 = vector.broadcast %get3A_373 : f32 to vector<16384xf32>
    %eq3A_375 = arith.constant 6 : i32
    %eq3A_376 = vector.broadcast %eq3A_375 : i32 to vector<16384xi32>
    %eq3A_377 = arith.cmpi eq, %get3A_0, %eq3A_376 : vector<16384xi32>
    %get3A_378 = arith.constant 6 : index
    %get3A_379 = arith.constant 6 : index
    %get3A_380 = memref.load %arg1[%get3A_378, %get3A_379] : memref<8x16xf32, #tpu.memory_space<smem>>
    %broadcast_in_dim3A_381 = vector.broadcast %get3A_380 : f32 to vector<16384xf32>
    %select_n3A_382 = arith.select %eq3A_377, %broadcast_in_dim3A_381, %broadcast_in_dim3A_374 : vector<16384xi1>, vector<16384xf32>
    %eq3A_383 = arith.constant 5 : i32
    %eq3A_384 = vector.broadcast %eq3A_383 : i32 to vector<16384xi32>
    %eq3A_385 = arith.cmpi eq, %get3A_0, %eq3A_384 : vector<16384xi32>
    %get3A_386 = arith.constant 5 : index
    %get3A_387 = arith.constant 6 : index
    %get3A_388 = memref.load %arg1[%get3A_386, %get3A_387] : memref<8x16xf32, #tpu.memory_space<smem>>
    %broadcast_in_dim3A_389 = vector.broadcast %get3A_388 : f32 to vector<16384xf32>
    %select_n3A_390 = arith.select %eq3A_385, %broadcast_in_dim3A_389, %select_n3A_382 : vector<16384xi1>, vector<16384xf32>
    %eq3A_391 = arith.constant 4 : i32
    %eq3A_392 = vector.broadcast %eq3A_391 : i32 to vector<16384xi32>
    %eq3A_393 = arith.cmpi eq, %get3A_0, %eq3A_392 : vector<16384xi32>
    %get3A_394 = arith.constant 4 : index
    %get3A_395 = arith.constant 6 : index
    %get3A_396 = memref.load %arg1[%get3A_394, %get3A_395] : memref<8x16xf32, #tpu.memory_space<smem>>
    %broadcast_in_dim3A_397 = vector.broadcast %get3A_396 : f32 to vector<16384xf32>
    %select_n3A_398 = arith.select %eq3A_393, %broadcast_in_dim3A_397, %select_n3A_390 : vector<16384xi1>, vector<16384xf32>
    %eq3A_399 = arith.constant 3 : i32
    %eq3A_400 = vector.broadcast %eq3A_399 : i32 to vector<16384xi32>
    %eq3A_401 = arith.cmpi eq, %get3A_0, %eq3A_400 : vector<16384xi32>
    %get3A_402 = arith.constant 3 : index
    %get3A_403 = arith.constant 6 : index
    %get3A_404 = memref.load %arg1[%get3A_402, %get3A_403] : memref<8x16xf32, #tpu.memory_space<smem>>
    %broadcast_in_dim3A_405 = vector.broadcast %get3A_404 : f32 to vector<16384xf32>
    %select_n3A_406 = arith.select %eq3A_401, %broadcast_in_dim3A_405, %select_n3A_398 : vector<16384xi1>, vector<16384xf32>
    %eq3A_407 = arith.constant 2 : i32
    %eq3A_408 = vector.broadcast %eq3A_407 : i32 to vector<16384xi32>
    %eq3A_409 = arith.cmpi eq, %get3A_0, %eq3A_408 : vector<16384xi32>
    %get3A_410 = arith.constant 2 : index
    %get3A_411 = arith.constant 6 : index
    %get3A_412 = memref.load %arg1[%get3A_410, %get3A_411] : memref<8x16xf32, #tpu.memory_space<smem>>
    %broadcast_in_dim3A_413 = vector.broadcast %get3A_412 : f32 to vector<16384xf32>
    %select_n3A_414 = arith.select %eq3A_409, %broadcast_in_dim3A_413, %select_n3A_406 : vector<16384xi1>, vector<16384xf32>
    %eq3A_415 = arith.constant 1 : i32
    %eq3A_416 = vector.broadcast %eq3A_415 : i32 to vector<16384xi32>
    %eq3A_417 = arith.cmpi eq, %get3A_0, %eq3A_416 : vector<16384xi32>
    %get3A_418 = arith.constant 1 : index
    %get3A_419 = arith.constant 6 : index
    %get3A_420 = memref.load %arg1[%get3A_418, %get3A_419] : memref<8x16xf32, #tpu.memory_space<smem>>
    %broadcast_in_dim3A_421 = vector.broadcast %get3A_420 : f32 to vector<16384xf32>
    %select_n3A_422 = arith.select %eq3A_417, %broadcast_in_dim3A_421, %select_n3A_414 : vector<16384xi1>, vector<16384xf32>
    %eq3A_423 = arith.constant 0 : i32
    %eq3A_424 = vector.broadcast %eq3A_423 : i32 to vector<16384xi32>
    %eq3A_425 = arith.cmpi eq, %get3A_0, %eq3A_424 : vector<16384xi32>
    %get3A_426 = arith.constant 0 : index
    %get3A_427 = arith.constant 6 : index
    %get3A_428 = memref.load %arg1[%get3A_426, %get3A_427] : memref<8x16xf32, #tpu.memory_space<smem>>
    %broadcast_in_dim3A_429 = vector.broadcast %get3A_428 : f32 to vector<16384xf32>
    %select_n3A_430 = arith.select %eq3A_425, %broadcast_in_dim3A_429, %select_n3A_422 : vector<16384xi1>, vector<16384xf32>
    %mul3A_431 = arith.mulf %select_n3A_430, %get3A_6 : vector<16384xf32>
    %add3A_432 = arith.addf %add3A_370, %mul3A_431 : vector<16384xf32>
    %get3A_433 = arith.constant 7 : index
    %get3A_434 = arith.constant 7 : index
    %get3A_435 = memref.load %arg1[%get3A_433, %get3A_434] : memref<8x16xf32, #tpu.memory_space<smem>>
    %broadcast_in_dim3A_436 = vector.broadcast %get3A_435 : f32 to vector<16384xf32>
    %eq3A_437 = arith.constant 6 : i32
    %eq3A_438 = vector.broadcast %eq3A_437 : i32 to vector<16384xi32>
    %eq3A_439 = arith.cmpi eq, %get3A_0, %eq3A_438 : vector<16384xi32>
    %get3A_440 = arith.constant 6 : index
    %get3A_441 = arith.constant 7 : index
    %get3A_442 = memref.load %arg1[%get3A_440, %get3A_441] : memref<8x16xf32, #tpu.memory_space<smem>>
    %broadcast_in_dim3A_443 = vector.broadcast %get3A_442 : f32 to vector<16384xf32>
    %select_n3A_444 = arith.select %eq3A_439, %broadcast_in_dim3A_443, %broadcast_in_dim3A_436 : vector<16384xi1>, vector<16384xf32>
    %eq3A_445 = arith.constant 5 : i32
    %eq3A_446 = vector.broadcast %eq3A_445 : i32 to vector<16384xi32>
    %eq3A_447 = arith.cmpi eq, %get3A_0, %eq3A_446 : vector<16384xi32>
    %get3A_448 = arith.constant 5 : index
    %get3A_449 = arith.constant 7 : index
    %get3A_450 = memref.load %arg1[%get3A_448, %get3A_449] : memref<8x16xf32, #tpu.memory_space<smem>>
    %broadcast_in_dim3A_451 = vector.broadcast %get3A_450 : f32 to vector<16384xf32>
    %select_n3A_452 = arith.select %eq3A_447, %broadcast_in_dim3A_451, %select_n3A_444 : vector<16384xi1>, vector<16384xf32>
    %eq3A_453 = arith.constant 4 : i32
    %eq3A_454 = vector.broadcast %eq3A_453 : i32 to vector<16384xi32>
    %eq3A_455 = arith.cmpi eq, %get3A_0, %eq3A_454 : vector<16384xi32>
    %get3A_456 = arith.constant 4 : index
    %get3A_457 = arith.constant 7 : index
    %get3A_458 = memref.load %arg1[%get3A_456, %get3A_457] : memref<8x16xf32, #tpu.memory_space<smem>>
    %broadcast_in_dim3A_459 = vector.broadcast %get3A_458 : f32 to vector<16384xf32>
    %select_n3A_460 = arith.select %eq3A_455, %broadcast_in_dim3A_459, %select_n3A_452 : vector<16384xi1>, vector<16384xf32>
    %eq3A_461 = arith.constant 3 : i32
    %eq3A_462 = vector.broadcast %eq3A_461 : i32 to vector<16384xi32>
    %eq3A_463 = arith.cmpi eq, %get3A_0, %eq3A_462 : vector<16384xi32>
    %get3A_464 = arith.constant 3 : index
    %get3A_465 = arith.constant 7 : index
    %get3A_466 = memref.load %arg1[%get3A_464, %get3A_465] : memref<8x16xf32, #tpu.memory_space<smem>>
    %broadcast_in_dim3A_467 = vector.broadcast %get3A_466 : f32 to vector<16384xf32>
    %select_n3A_468 = arith.select %eq3A_463, %broadcast_in_dim3A_467, %select_n3A_460 : vector<16384xi1>, vector<16384xf32>
    %eq3A_469 = arith.constant 2 : i32
    %eq3A_470 = vector.broadcast %eq3A_469 : i32 to vector<16384xi32>
    %eq3A_471 = arith.cmpi eq, %get3A_0, %eq3A_470 : vector<16384xi32>
    %get3A_472 = arith.constant 2 : index
    %get3A_473 = arith.constant 7 : index
    %get3A_474 = memref.load %arg1[%get3A_472, %get3A_473] : memref<8x16xf32, #tpu.memory_space<smem>>
    %broadcast_in_dim3A_475 = vector.broadcast %get3A_474 : f32 to vector<16384xf32>
    %select_n3A_476 = arith.select %eq3A_471, %broadcast_in_dim3A_475, %select_n3A_468 : vector<16384xi1>, vector<16384xf32>
    %eq3A_477 = arith.constant 1 : i32
    %eq3A_478 = vector.broadcast %eq3A_477 : i32 to vector<16384xi32>
    %eq3A_479 = arith.cmpi eq, %get3A_0, %eq3A_478 : vector<16384xi32>
    %get3A_480 = arith.constant 1 : index
    %get3A_481 = arith.constant 7 : index
    %get3A_482 = memref.load %arg1[%get3A_480, %get3A_481] : memref<8x16xf32, #tpu.memory_space<smem>>
    %broadcast_in_dim3A_483 = vector.broadcast %get3A_482 : f32 to vector<16384xf32>
    %select_n3A_484 = arith.select %eq3A_479, %broadcast_in_dim3A_483, %select_n3A_476 : vector<16384xi1>, vector<16384xf32>
    %eq3A_485 = arith.constant 0 : i32
    %eq3A_486 = vector.broadcast %eq3A_485 : i32 to vector<16384xi32>
    %eq3A_487 = arith.cmpi eq, %get3A_0, %eq3A_486 : vector<16384xi32>
    %get3A_488 = arith.constant 0 : index
    %get3A_489 = arith.constant 7 : index
    %get3A_490 = memref.load %arg1[%get3A_488, %get3A_489] : memref<8x16xf32, #tpu.memory_space<smem>>
    %broadcast_in_dim3A_491 = vector.broadcast %get3A_490 : f32 to vector<16384xf32>
    %select_n3A_492 = arith.select %eq3A_487, %broadcast_in_dim3A_491, %select_n3A_484 : vector<16384xi1>, vector<16384xf32>
    %add3A_493 = arith.addf %add3A_432, %select_n3A_492 : vector<16384xf32>
    %get3A_494 = arith.constant 7 : index
    %get3A_495 = arith.constant 8 : index
    %get3A_496 = memref.load %arg1[%get3A_494, %get3A_495] : memref<8x16xf32, #tpu.memory_space<smem>>
    %broadcast_in_dim3A_497 = vector.broadcast %get3A_496 : f32 to vector<16384xf32>
    %eq3A_498 = arith.constant 6 : i32
    %eq3A_499 = vector.broadcast %eq3A_498 : i32 to vector<16384xi32>
    %eq3A_500 = arith.cmpi eq, %get3A_0, %eq3A_499 : vector<16384xi32>
    %get3A_501 = arith.constant 6 : index
    %get3A_502 = arith.constant 8 : index
    %get3A_503 = memref.load %arg1[%get3A_501, %get3A_502] : memref<8x16xf32, #tpu.memory_space<smem>>
    %broadcast_in_dim3A_504 = vector.broadcast %get3A_503 : f32 to vector<16384xf32>
    %select_n3A_505 = arith.select %eq3A_500, %broadcast_in_dim3A_504, %broadcast_in_dim3A_497 : vector<16384xi1>, vector<16384xf32>
    %eq3A_506 = arith.constant 5 : i32
    %eq3A_507 = vector.broadcast %eq3A_506 : i32 to vector<16384xi32>
    %eq3A_508 = arith.cmpi eq, %get3A_0, %eq3A_507 : vector<16384xi32>
    %get3A_509 = arith.constant 5 : index
    %get3A_510 = arith.constant 8 : index
    %get3A_511 = memref.load %arg1[%get3A_509, %get3A_510] : memref<8x16xf32, #tpu.memory_space<smem>>
    %broadcast_in_dim3A_512 = vector.broadcast %get3A_511 : f32 to vector<16384xf32>
    %select_n3A_513 = arith.select %eq3A_508, %broadcast_in_dim3A_512, %select_n3A_505 : vector<16384xi1>, vector<16384xf32>
    %eq3A_514 = arith.constant 4 : i32
    %eq3A_515 = vector.broadcast %eq3A_514 : i32 to vector<16384xi32>
    %eq3A_516 = arith.cmpi eq, %get3A_0, %eq3A_515 : vector<16384xi32>
    %get3A_517 = arith.constant 4 : index
    %get3A_518 = arith.constant 8 : index
    %get3A_519 = memref.load %arg1[%get3A_517, %get3A_518] : memref<8x16xf32, #tpu.memory_space<smem>>
    %broadcast_in_dim3A_520 = vector.broadcast %get3A_519 : f32 to vector<16384xf32>
    %select_n3A_521 = arith.select %eq3A_516, %broadcast_in_dim3A_520, %select_n3A_513 : vector<16384xi1>, vector<16384xf32>
    %eq3A_522 = arith.constant 3 : i32
    %eq3A_523 = vector.broadcast %eq3A_522 : i32 to vector<16384xi32>
    %eq3A_524 = arith.cmpi eq, %get3A_0, %eq3A_523 : vector<16384xi32>
    %get3A_525 = arith.constant 3 : index
    %get3A_526 = arith.constant 8 : index
    %get3A_527 = memref.load %arg1[%get3A_525, %get3A_526] : memref<8x16xf32, #tpu.memory_space<smem>>
    %broadcast_in_dim3A_528 = vector.broadcast %get3A_527 : f32 to vector<16384xf32>
    %select_n3A_529 = arith.select %eq3A_524, %broadcast_in_dim3A_528, %select_n3A_521 : vector<16384xi1>, vector<16384xf32>
    %eq3A_530 = arith.constant 2 : i32
    %eq3A_531 = vector.broadcast %eq3A_530 : i32 to vector<16384xi32>
    %eq3A_532 = arith.cmpi eq, %get3A_0, %eq3A_531 : vector<16384xi32>
    %get3A_533 = arith.constant 2 : index
    %get3A_534 = arith.constant 8 : index
    %get3A_535 = memref.load %arg1[%get3A_533, %get3A_534] : memref<8x16xf32, #tpu.memory_space<smem>>
    %broadcast_in_dim3A_536 = vector.broadcast %get3A_535 : f32 to vector<16384xf32>
    %select_n3A_537 = arith.select %eq3A_532, %broadcast_in_dim3A_536, %select_n3A_529 : vector<16384xi1>, vector<16384xf32>
    %eq3A_538 = arith.constant 1 : i32
    %eq3A_539 = vector.broadcast %eq3A_538 : i32 to vector<16384xi32>
    %eq3A_540 = arith.cmpi eq, %get3A_0, %eq3A_539 : vector<16384xi32>
    %get3A_541 = arith.constant 1 : index
    %get3A_542 = arith.constant 8 : index
    %get3A_543 = memref.load %arg1[%get3A_541, %get3A_542] : memref<8x16xf32, #tpu.memory_space<smem>>
    %broadcast_in_dim3A_544 = vector.broadcast %get3A_543 : f32 to vector<16384xf32>
    %select_n3A_545 = arith.select %eq3A_540, %broadcast_in_dim3A_544, %select_n3A_537 : vector<16384xi1>, vector<16384xf32>
    %eq3A_546 = arith.constant 0 : i32
    %eq3A_547 = vector.broadcast %eq3A_546 : i32 to vector<16384xi32>
    %eq3A_548 = arith.cmpi eq, %get3A_0, %eq3A_547 : vector<16384xi32>
    %get3A_549 = arith.constant 0 : index
    %get3A_550 = arith.constant 8 : index
    %get3A_551 = memref.load %arg1[%get3A_549, %get3A_550] : memref<8x16xf32, #tpu.memory_space<smem>>
    %broadcast_in_dim3A_552 = vector.broadcast %get3A_551 : f32 to vector<16384xf32>
    %select_n3A_553 = arith.select %eq3A_548, %broadcast_in_dim3A_552, %select_n3A_545 : vector<16384xi1>, vector<16384xf32>
    %mul3A_554 = arith.mulf %select_n3A_553, %get3A_2 : vector<16384xf32>
    %get3A_555 = arith.constant 7 : index
    %get3A_556 = arith.constant 9 : index
    %get3A_557 = memref.load %arg1[%get3A_555, %get3A_556] : memref<8x16xf32, #tpu.memory_space<smem>>
    %broadcast_in_dim3A_558 = vector.broadcast %get3A_557 : f32 to vector<16384xf32>
    %eq3A_559 = arith.constant 6 : i32
    %eq3A_560 = vector.broadcast %eq3A_559 : i32 to vector<16384xi32>
    %eq3A_561 = arith.cmpi eq, %get3A_0, %eq3A_560 : vector<16384xi32>
    %get3A_562 = arith.constant 6 : index
    %get3A_563 = arith.constant 9 : index
    %get3A_564 = memref.load %arg1[%get3A_562, %get3A_563] : memref<8x16xf32, #tpu.memory_space<smem>>
    %broadcast_in_dim3A_565 = vector.broadcast %get3A_564 : f32 to vector<16384xf32>
    %select_n3A_566 = arith.select %eq3A_561, %broadcast_in_dim3A_565, %broadcast_in_dim3A_558 : vector<16384xi1>, vector<16384xf32>
    %eq3A_567 = arith.constant 5 : i32
    %eq3A_568 = vector.broadcast %eq3A_567 : i32 to vector<16384xi32>
    %eq3A_569 = arith.cmpi eq, %get3A_0, %eq3A_568 : vector<16384xi32>
    %get3A_570 = arith.constant 5 : index
    %get3A_571 = arith.constant 9 : index
    %get3A_572 = memref.load %arg1[%get3A_570, %get3A_571] : memref<8x16xf32, #tpu.memory_space<smem>>
    %broadcast_in_dim3A_573 = vector.broadcast %get3A_572 : f32 to vector<16384xf32>
    %select_n3A_574 = arith.select %eq3A_569, %broadcast_in_dim3A_573, %select_n3A_566 : vector<16384xi1>, vector<16384xf32>
    %eq3A_575 = arith.constant 4 : i32
    %eq3A_576 = vector.broadcast %eq3A_575 : i32 to vector<16384xi32>
    %eq3A_577 = arith.cmpi eq, %get3A_0, %eq3A_576 : vector<16384xi32>
    %get3A_578 = arith.constant 4 : index
    %get3A_579 = arith.constant 9 : index
    %get3A_580 = memref.load %arg1[%get3A_578, %get3A_579] : memref<8x16xf32, #tpu.memory_space<smem>>
    %broadcast_in_dim3A_581 = vector.broadcast %get3A_580 : f32 to vector<16384xf32>
    %select_n3A_582 = arith.select %eq3A_577, %broadcast_in_dim3A_581, %select_n3A_574 : vector<16384xi1>, vector<16384xf32>
    %eq3A_583 = arith.constant 3 : i32
    %eq3A_584 = vector.broadcast %eq3A_583 : i32 to vector<16384xi32>
    %eq3A_585 = arith.cmpi eq, %get3A_0, %eq3A_584 : vector<16384xi32>
    %get3A_586 = arith.constant 3 : index
    %get3A_587 = arith.constant 9 : index
    %get3A_588 = memref.load %arg1[%get3A_586, %get3A_587] : memref<8x16xf32, #tpu.memory_space<smem>>
    %broadcast_in_dim3A_589 = vector.broadcast %get3A_588 : f32 to vector<16384xf32>
    %select_n3A_590 = arith.select %eq3A_585, %broadcast_in_dim3A_589, %select_n3A_582 : vector<16384xi1>, vector<16384xf32>
    %eq3A_591 = arith.constant 2 : i32
    %eq3A_592 = vector.broadcast %eq3A_591 : i32 to vector<16384xi32>
    %eq3A_593 = arith.cmpi eq, %get3A_0, %eq3A_592 : vector<16384xi32>
    %get3A_594 = arith.constant 2 : index
    %get3A_595 = arith.constant 9 : index
    %get3A_596 = memref.load %arg1[%get3A_594, %get3A_595] : memref<8x16xf32, #tpu.memory_space<smem>>
    %broadcast_in_dim3A_597 = vector.broadcast %get3A_596 : f32 to vector<16384xf32>
    %select_n3A_598 = arith.select %eq3A_593, %broadcast_in_dim3A_597, %select_n3A_590 : vector<16384xi1>, vector<16384xf32>
    %eq3A_599 = arith.constant 1 : i32
    %eq3A_600 = vector.broadcast %eq3A_599 : i32 to vector<16384xi32>
    %eq3A_601 = arith.cmpi eq, %get3A_0, %eq3A_600 : vector<16384xi32>
    %get3A_602 = arith.constant 1 : index
    %get3A_603 = arith.constant 9 : index
    %get3A_604 = memref.load %arg1[%get3A_602, %get3A_603] : memref<8x16xf32, #tpu.memory_space<smem>>
    %broadcast_in_dim3A_605 = vector.broadcast %get3A_604 : f32 to vector<16384xf32>
    %select_n3A_606 = arith.select %eq3A_601, %broadcast_in_dim3A_605, %select_n3A_598 : vector<16384xi1>, vector<16384xf32>
    %eq3A_607 = arith.constant 0 : i32
    %eq3A_608 = vector.broadcast %eq3A_607 : i32 to vector<16384xi32>
    %eq3A_609 = arith.cmpi eq, %get3A_0, %eq3A_608 : vector<16384xi32>
    %get3A_610 = arith.constant 0 : index
    %get3A_611 = arith.constant 9 : index
    %get3A_612 = memref.load %arg1[%get3A_610, %get3A_611] : memref<8x16xf32, #tpu.memory_space<smem>>
    %broadcast_in_dim3A_613 = vector.broadcast %get3A_612 : f32 to vector<16384xf32>
    %select_n3A_614 = arith.select %eq3A_609, %broadcast_in_dim3A_613, %select_n3A_606 : vector<16384xi1>, vector<16384xf32>
    %mul3A_615 = arith.mulf %select_n3A_614, %get3A_4 : vector<16384xf32>
    %add3A_616 = arith.addf %mul3A_554, %mul3A_615 : vector<16384xf32>
    %get3A_617 = arith.constant 7 : index
    %get3A_618 = arith.constant 10 : index
    %get3A_619 = memref.load %arg1[%get3A_617, %get3A_618] : memref<8x16xf32, #tpu.memory_space<smem>>
    %broadcast_in_dim3A_620 = vector.broadcast %get3A_619 : f32 to vector<16384xf32>
    %eq3A_621 = arith.constant 6 : i32
    %eq3A_622 = vector.broadcast %eq3A_621 : i32 to vector<16384xi32>
    %eq3A_623 = arith.cmpi eq, %get3A_0, %eq3A_622 : vector<16384xi32>
    %get3A_624 = arith.constant 6 : index
    %get3A_625 = arith.constant 10 : index
    %get3A_626 = memref.load %arg1[%get3A_624, %get3A_625] : memref<8x16xf32, #tpu.memory_space<smem>>
    %broadcast_in_dim3A_627 = vector.broadcast %get3A_626 : f32 to vector<16384xf32>
    %select_n3A_628 = arith.select %eq3A_623, %broadcast_in_dim3A_627, %broadcast_in_dim3A_620 : vector<16384xi1>, vector<16384xf32>
    %eq3A_629 = arith.constant 5 : i32
    %eq3A_630 = vector.broadcast %eq3A_629 : i32 to vector<16384xi32>
    %eq3A_631 = arith.cmpi eq, %get3A_0, %eq3A_630 : vector<16384xi32>
    %get3A_632 = arith.constant 5 : index
    %get3A_633 = arith.constant 10 : index
    %get3A_634 = memref.load %arg1[%get3A_632, %get3A_633] : memref<8x16xf32, #tpu.memory_space<smem>>
    %broadcast_in_dim3A_635 = vector.broadcast %get3A_634 : f32 to vector<16384xf32>
    %select_n3A_636 = arith.select %eq3A_631, %broadcast_in_dim3A_635, %select_n3A_628 : vector<16384xi1>, vector<16384xf32>
    %eq3A_637 = arith.constant 4 : i32
    %eq3A_638 = vector.broadcast %eq3A_637 : i32 to vector<16384xi32>
    %eq3A_639 = arith.cmpi eq, %get3A_0, %eq3A_638 : vector<16384xi32>
    %get3A_640 = arith.constant 4 : index
    %get3A_641 = arith.constant 10 : index
    %get3A_642 = memref.load %arg1[%get3A_640, %get3A_641] : memref<8x16xf32, #tpu.memory_space<smem>>
    %broadcast_in_dim3A_643 = vector.broadcast %get3A_642 : f32 to vector<16384xf32>
    %select_n3A_644 = arith.select %eq3A_639, %broadcast_in_dim3A_643, %select_n3A_636 : vector<16384xi1>, vector<16384xf32>
    %eq3A_645 = arith.constant 3 : i32
    %eq3A_646 = vector.broadcast %eq3A_645 : i32 to vector<16384xi32>
    %eq3A_647 = arith.cmpi eq, %get3A_0, %eq3A_646 : vector<16384xi32>
    %get3A_648 = arith.constant 3 : index
    %get3A_649 = arith.constant 10 : index
    %get3A_650 = memref.load %arg1[%get3A_648, %get3A_649] : memref<8x16xf32, #tpu.memory_space<smem>>
    %broadcast_in_dim3A_651 = vector.broadcast %get3A_650 : f32 to vector<16384xf32>
    %select_n3A_652 = arith.select %eq3A_647, %broadcast_in_dim3A_651, %select_n3A_644 : vector<16384xi1>, vector<16384xf32>
    %eq3A_653 = arith.constant 2 : i32
    %eq3A_654 = vector.broadcast %eq3A_653 : i32 to vector<16384xi32>
    %eq3A_655 = arith.cmpi eq, %get3A_0, %eq3A_654 : vector<16384xi32>
    %get3A_656 = arith.constant 2 : index
    %get3A_657 = arith.constant 10 : index
    %get3A_658 = memref.load %arg1[%get3A_656, %get3A_657] : memref<8x16xf32, #tpu.memory_space<smem>>
    %broadcast_in_dim3A_659 = vector.broadcast %get3A_658 : f32 to vector<16384xf32>
    %select_n3A_660 = arith.select %eq3A_655, %broadcast_in_dim3A_659, %select_n3A_652 : vector<16384xi1>, vector<16384xf32>
    %eq3A_661 = arith.constant 1 : i32
    %eq3A_662 = vector.broadcast %eq3A_661 : i32 to vector<16384xi32>
    %eq3A_663 = arith.cmpi eq, %get3A_0, %eq3A_662 : vector<16384xi32>
    %get3A_664 = arith.constant 1 : index
    %get3A_665 = arith.constant 10 : index
    %get3A_666 = memref.load %arg1[%get3A_664, %get3A_665] : memref<8x16xf32, #tpu.memory_space<smem>>
    %broadcast_in_dim3A_667 = vector.broadcast %get3A_666 : f32 to vector<16384xf32>
    %select_n3A_668 = arith.select %eq3A_663, %broadcast_in_dim3A_667, %select_n3A_660 : vector<16384xi1>, vector<16384xf32>
    %eq3A_669 = arith.constant 0 : i32
    %eq3A_670 = vector.broadcast %eq3A_669 : i32 to vector<16384xi32>
    %eq3A_671 = arith.cmpi eq, %get3A_0, %eq3A_670 : vector<16384xi32>
    %get3A_672 = arith.constant 0 : index
    %get3A_673 = arith.constant 10 : index
    %get3A_674 = memref.load %arg1[%get3A_672, %get3A_673] : memref<8x16xf32, #tpu.memory_space<smem>>
    %broadcast_in_dim3A_675 = vector.broadcast %get3A_674 : f32 to vector<16384xf32>
    %select_n3A_676 = arith.select %eq3A_671, %broadcast_in_dim3A_675, %select_n3A_668 : vector<16384xi1>, vector<16384xf32>
    %mul3A_677 = arith.mulf %select_n3A_676, %get3A_6 : vector<16384xf32>
    %add3A_678 = arith.addf %add3A_616, %mul3A_677 : vector<16384xf32>
    %get3A_679 = arith.constant 7 : index
    %get3A_680 = arith.constant 11 : index
    %get3A_681 = memref.load %arg1[%get3A_679, %get3A_680] : memref<8x16xf32, #tpu.memory_space<smem>>
    %broadcast_in_dim3A_682 = vector.broadcast %get3A_681 : f32 to vector<16384xf32>
    %eq3A_683 = arith.constant 6 : i32
    %eq3A_684 = vector.broadcast %eq3A_683 : i32 to vector<16384xi32>
    %eq3A_685 = arith.cmpi eq, %get3A_0, %eq3A_684 : vector<16384xi32>
    %get3A_686 = arith.constant 6 : index
    %get3A_687 = arith.constant 11 : index
    %get3A_688 = memref.load %arg1[%get3A_686, %get3A_687] : memref<8x16xf32, #tpu.memory_space<smem>>
    %broadcast_in_dim3A_689 = vector.broadcast %get3A_688 : f32 to vector<16384xf32>
    %select_n3A_690 = arith.select %eq3A_685, %broadcast_in_dim3A_689, %broadcast_in_dim3A_682 : vector<16384xi1>, vector<16384xf32>
    %eq3A_691 = arith.constant 5 : i32
    %eq3A_692 = vector.broadcast %eq3A_691 : i32 to vector<16384xi32>
    %eq3A_693 = arith.cmpi eq, %get3A_0, %eq3A_692 : vector<16384xi32>
    %get3A_694 = arith.constant 5 : index
    %get3A_695 = arith.constant 11 : index
    %get3A_696 = memref.load %arg1[%get3A_694, %get3A_695] : memref<8x16xf32, #tpu.memory_space<smem>>
    %broadcast_in_dim3A_697 = vector.broadcast %get3A_696 : f32 to vector<16384xf32>
    %select_n3A_698 = arith.select %eq3A_693, %broadcast_in_dim3A_697, %select_n3A_690 : vector<16384xi1>, vector<16384xf32>
    %eq3A_699 = arith.constant 4 : i32
    %eq3A_700 = vector.broadcast %eq3A_699 : i32 to vector<16384xi32>
    %eq3A_701 = arith.cmpi eq, %get3A_0, %eq3A_700 : vector<16384xi32>
    %get3A_702 = arith.constant 4 : index
    %get3A_703 = arith.constant 11 : index
    %get3A_704 = memref.load %arg1[%get3A_702, %get3A_703] : memref<8x16xf32, #tpu.memory_space<smem>>
    %broadcast_in_dim3A_705 = vector.broadcast %get3A_704 : f32 to vector<16384xf32>
    %select_n3A_706 = arith.select %eq3A_701, %broadcast_in_dim3A_705, %select_n3A_698 : vector<16384xi1>, vector<16384xf32>
    %eq3A_707 = arith.constant 3 : i32
    %eq3A_708 = vector.broadcast %eq3A_707 : i32 to vector<16384xi32>
    %eq3A_709 = arith.cmpi eq, %get3A_0, %eq3A_708 : vector<16384xi32>
    %get3A_710 = arith.constant 3 : index
    %get3A_711 = arith.constant 11 : index
    %get3A_712 = memref.load %arg1[%get3A_710, %get3A_711] : memref<8x16xf32, #tpu.memory_space<smem>>
    %broadcast_in_dim3A_713 = vector.broadcast %get3A_712 : f32 to vector<16384xf32>
    %select_n3A_714 = arith.select %eq3A_709, %broadcast_in_dim3A_713, %select_n3A_706 : vector<16384xi1>, vector<16384xf32>
    %eq3A_715 = arith.constant 2 : i32
    %eq3A_716 = vector.broadcast %eq3A_715 : i32 to vector<16384xi32>
    %eq3A_717 = arith.cmpi eq, %get3A_0, %eq3A_716 : vector<16384xi32>
    %get3A_718 = arith.constant 2 : index
    %get3A_719 = arith.constant 11 : index
    %get3A_720 = memref.load %arg1[%get3A_718, %get3A_719] : memref<8x16xf32, #tpu.memory_space<smem>>
    %broadcast_in_dim3A_721 = vector.broadcast %get3A_720 : f32 to vector<16384xf32>
    %select_n3A_722 = arith.select %eq3A_717, %broadcast_in_dim3A_721, %select_n3A_714 : vector<16384xi1>, vector<16384xf32>
    %eq3A_723 = arith.constant 1 : i32
    %eq3A_724 = vector.broadcast %eq3A_723 : i32 to vector<16384xi32>
    %eq3A_725 = arith.cmpi eq, %get3A_0, %eq3A_724 : vector<16384xi32>
    %get3A_726 = arith.constant 1 : index
    %get3A_727 = arith.constant 11 : index
    %get3A_728 = memref.load %arg1[%get3A_726, %get3A_727] : memref<8x16xf32, #tpu.memory_space<smem>>
    %broadcast_in_dim3A_729 = vector.broadcast %get3A_728 : f32 to vector<16384xf32>
    %select_n3A_730 = arith.select %eq3A_725, %broadcast_in_dim3A_729, %select_n3A_722 : vector<16384xi1>, vector<16384xf32>
    %eq3A_731 = arith.constant 0 : i32
    %eq3A_732 = vector.broadcast %eq3A_731 : i32 to vector<16384xi32>
    %eq3A_733 = arith.cmpi eq, %get3A_0, %eq3A_732 : vector<16384xi32>
    %get3A_734 = arith.constant 0 : index
    %get3A_735 = arith.constant 11 : index
    %get3A_736 = memref.load %arg1[%get3A_734, %get3A_735] : memref<8x16xf32, #tpu.memory_space<smem>>
    %broadcast_in_dim3A_737 = vector.broadcast %get3A_736 : f32 to vector<16384xf32>
    %select_n3A_738 = arith.select %eq3A_733, %broadcast_in_dim3A_737, %select_n3A_730 : vector<16384xi1>, vector<16384xf32>
    %add3A_739 = arith.addf %add3A_678, %select_n3A_738 : vector<16384xf32>
    %mul3A_740 = arith.constant 1.600000e+01 : f32
    %mul3A_741 = vector.broadcast %mul3A_740 : f32 to vector<16384xf32>
    %mul3A_742 = arith.mulf %add3A_247, %mul3A_741 : vector<16384xf32>
    %mul3A_743 = arith.constant 1.600000e+01 : f32
    %mul3A_744 = vector.broadcast %mul3A_743 : f32 to vector<16384xf32>
    %mul3A_745 = arith.mulf %add3A_493, %mul3A_744 : vector<16384xf32>
    %mul3A_746 = arith.constant 1.600000e+01 : f32
    %mul3A_747 = vector.broadcast %mul3A_746 : f32 to vector<16384xf32>
    %mul3A_748 = arith.mulf %add3A_739, %mul3A_747 : vector<16384xf32>
    %ge3A = arith.constant 0.000000e+00 : f32
    %ge3A_749 = vector.broadcast %ge3A : f32 to vector<16384xf32>
    %ge3A_750 = arith.cmpf oge, %mul3A_742, %ge3A_749 : vector<16384xf32>
    %lt3A = arith.constant 9.600000e+01 : f32
    %lt3A_751 = vector.broadcast %lt3A : f32 to vector<16384xf32>
    %lt3A_752 = arith.cmpf olt, %mul3A_742, %lt3A_751 : vector<16384xf32>
    %and3A = arith.andi %ge3A_750, %lt3A_752 : vector<16384xi1>
    %ge3A_753 = arith.constant 0.000000e+00 : f32
    %ge3A_754 = vector.broadcast %ge3A_753 : f32 to vector<16384xf32>
    %ge3A_755 = arith.cmpf oge, %mul3A_745, %ge3A_754 : vector<16384xf32>
    %and3A_756 = arith.andi %and3A, %ge3A_755 : vector<16384xi1>
    %lt3A_757 = arith.constant 9.600000e+01 : f32
    %lt3A_758 = vector.broadcast %lt3A_757 : f32 to vector<16384xf32>
    %lt3A_759 = arith.cmpf olt, %mul3A_745, %lt3A_758 : vector<16384xf32>
    %and3A_760 = arith.andi %and3A_756, %lt3A_759 : vector<16384xi1>
    %ge3A_761 = arith.constant 0.000000e+00 : f32
    %ge3A_762 = vector.broadcast %ge3A_761 : f32 to vector<16384xf32>
    %ge3A_763 = arith.cmpf oge, %mul3A_748, %ge3A_762 : vector<16384xf32>
    %and3A_764 = arith.andi %and3A_760, %ge3A_763 : vector<16384xi1>
    %lt3A_765 = arith.constant 4.800000e+01 : f32
    %lt3A_766 = vector.broadcast %lt3A_765 : f32 to vector<16384xf32>
    %lt3A_767 = arith.cmpf olt, %mul3A_748, %lt3A_766 : vector<16384xf32>
    %and3A_768 = arith.andi %and3A_764, %lt3A_767 : vector<16384xi1>
    %jit3A = arith.constant 1.000000e+00 : f32
    %jit3A_769 = arith.constant 0.000000e+00 : f32
    %broadcast_in_dim3A_770 = vector.broadcast %jit3A : f32 to vector<16384xf32>
    %broadcast_in_dim3A_771 = vector.broadcast %jit3A_769 : f32 to vector<16384xf32>
    %select_n3A_772 = arith.select %and3A_768, %broadcast_in_dim3A_770, %broadcast_in_dim3A_771 : vector<16384xi1>, vector<16384xf32>
    %get3A_773 = arith.constant 0 : index
    %get3A_774 = arith.constant 0 : index
    %get3A_775 = vector.load %arg6[%get3A_773, %get3A_774] : memref<64x16384xf32, #tpu.memory_space<vmem>>, vector<64x16384xf32>
    %broadcast_in_dim3A_776 = vector.shape_cast %select_n3A_772 : vector<16384xf32> to vector<1x16384xf32>
    %mul3A_777 = vector.broadcast %broadcast_in_dim3A_776 : vector<1x16384xf32> to vector<64x16384xf32>
    %mul3A_778 = arith.mulf %get3A_775, %mul3A_777 : vector<64x16384xf32>
    %swap3A = arith.constant 0 : index
    %swap3A_779 = arith.constant 0 : index
    %swap3A_780 = vector.load %arg7[%swap3A, %swap3A_779] : memref<64x16384xf32, #tpu.memory_space<vmem>>, vector<64x16384xf32>
    tpu.vector_store %arg7[%swap3A, %swap3A_779], %mul3A_778 {strides = array<i32>} : memref<64x16384xf32, #tpu.memory_space<vmem>>, vector<64x16384xf32>,
    %broadcast_in_dim3A_781 = vector.shape_cast %add3A_247 : vector<16384xf32> to vector<1x16384xf32>
    %swap3A_782 = arith.constant 0 : index
    %swap3A_783 = arith.constant 0 : index
    %swap3A_784 = vector.load %arg8[%swap3A_782, %swap3A_783] : memref<3x16384xf32, #tpu.memory_space<vmem>>, vector<1x16384xf32>
    tpu.vector_store %arg8[%swap3A_782, %swap3A_783], %broadcast_in_dim3A_781 {strides = array<i32>} : memref<3x16384xf32, #tpu.memory_space<vmem>>, vector<1x16384xf32>,
    %broadcast_in_dim3A_785 = vector.shape_cast %add3A_493 : vector<16384xf32> to vector<1x16384xf32>
    %swap3A_786 = arith.constant 1 : index
    %swap3A_787 = arith.constant 0 : index
    %swap3A_788 = vector.load %arg8[%swap3A_786, %swap3A_787] : memref<3x16384xf32, #tpu.memory_space<vmem>>, vector<1x16384xf32>
    tpu.vector_store %arg8[%swap3A_786, %swap3A_787], %broadcast_in_dim3A_785 {strides = array<i32>} : memref<3x16384xf32, #tpu.memory_space<vmem>>, vector<1x16384xf32>,
    %broadcast_in_dim3A_789 = vector.shape_cast %add3A_739 : vector<16384xf32> to vector<1x16384xf32>
    %swap3A_790 = arith.constant 2 : index
    %swap3A_791 = arith.constant 0 : index
    %swap3A_792 = vector.load %arg8[%swap3A_790, %swap3A_791] : memref<3x16384xf32, #tpu.memory_space<vmem>>, vector<1x16384xf32>
    tpu.vector_store %arg8[%swap3A_790, %swap3A_791], %broadcast_in_dim3A_789 {strides = array<i32>} : memref<3x16384xf32, #tpu.memory_space<vmem>>, vector<1x16384xf32>,
    return
  }
  func.func @transform_0(%arg0: i32) -> (i32, i32) {
    %c0_i32 = arith.constant 0 : i32
    %c0_i32_0 = arith.constant 0 : i32
    %c0_i32_1 = arith.constant 0 : i32
    return %c0_i32, %c0_i32_0 : i32, i32
  }
  func.func @transform_1(%arg0: i32) -> i32 {
    %c0_i32 = arith.constant 0 : i32
    return %arg0 : i32
  }
  func.func @transform_2(%arg0: i32) -> i32 {
    %c0_i32 = arith.constant 0 : i32
    return %arg0 : i32
  }
  func.func @transform_3(%arg0: i32) -> i32 {
    %c0_i32 = arith.constant 0 : i32
    return %arg0 : i32
  }
  func.func @transform_4(%arg0: i32) -> i32 {
    %c0_i32 = arith.constant 0 : i32
    return %arg0 : i32
  }
  func.func @transform_5(%arg0: i32) -> (i32, i32) {
    %c0_i32 = arith.constant 0 : i32
    %c0_i32_0 = arith.constant 0 : i32
    return %c0_i32, %arg0 : i32, i32
  }
  func.func @transform_6(%arg0: i32) -> (i32, i32) {
    %c0_i32 = arith.constant 0 : i32
    %c0_i32_0 = arith.constant 0 : i32
    return %c0_i32, %arg0 : i32, i32
  }
  func.func @transform_7(%arg0: i32) -> (i32, i32) {
    %c0_i32 = arith.constant 0 : i32
    %c0_i32_0 = arith.constant 0 : i32
    return %c0_i32, %arg0 : i32, i32
  }
}

</mosaic_0001>

<sc_bundles>
// kernel: kernel.4.cloned.1.call-start
scs
__scs_entry_jumppad:
0x0: {  	(pc) =	sbr.rel $0x88, $3  }
0x1: {  	(tag) =	ssettag $0x0;
	lr =	simm.s32 $0x1  }
0x2: {  	[smem:$0x3F9A] =	sst lr;
	_ =	strace $0xD0000000  }
0x3: {  	_ = 	snop  }
0x4: {  	_ = 	snop  }
0x5: {  	_ = 	snop  }
0x6: {  	_ = 	snop  }
0x7: {  	_ = 	snop  }
__scs_overlays_trampoline_lowered:
0x8: {  	[smem:$0x3FA9] =	sst s0  }
0x9: {  	[smem:$0x3FAA] =	sst s1  }
0xa: {  	[smem:$0x3FAB] =	sst s2  }
0xb: {  	[smem:$0x3FAC] =	sst s3  }
0xc: {  	[smem:$0x3FAD] =	sst s4  }
0xd: {  	[smem:$0x3FAE] =	sst s5  }
0xe: {  	[smem:$0x3FAF] =	sst s6  }
0xf: {  	[smem:$0x3FB0] =	sst s7  }
0x10: {  	[smem:$0x3FB1] =	sst s8  }
0x11: {  	[smem:$0x3FB2] =	sst s9;
	s0 =	simm.s32 @!p0 $0x0  }
0x12: {  	s1 =	sld [smem:$0x3F98];
	s0 =	simm.s32 @p0 $0x1  }
0x13: {  	[smem:$0x3FB3] =	sst s0;
	s0 =	simm.s32 @!p1 $0x0  }
0x14: {  	s2 =	sld [smem:$0x3F97];
	s0 =	simm.s32 @p1 $0x1  }
0x15: {  	[smem:$0x3FB4] =	sst s0;
	s0 =	simm.s32 @!p2 $0x0  }
0x16: {  	s3 =	sld [smem:$0x3FDB];
	s0 =	simm.s32 @p2 $0x1  }
0x17: {  	s4 =	simm.s32 $0x1BF5;
	[smem:$0x3FB6] =	sst s0  }
0x18: {  	s0 =	sld [smem:$0x3F99];
	_ =	swait.ge [sflag:s4], $0x0  }
0x19: {  	s7 =	sld [smem:$0x3F9A]  }
0x1a: {  	s8 =	sadd.s32 $0xFFFFE003, lr  }
0x1b: {  	s9 =	sadd.s32 $0xFFFFFEF7, lr;
	s5 =	simm.s32 $0xFFFFFFFF;
	p2 =	slt.u32 s8, $0xFFFFF086  }
0x1c: {  	p1 =	slt.u32 s9, $0xF7A;
	s5 =	simm.s32 @!p2 $0x0  }
0x1d: {  	s5 =	simm.s32 @p1 $0x1;
	p0 =	seq.s32 s7, s2  }
0x1e: {  	s7 =	smul.u32 @!p0 $0xF7A, s2;
	p2 =	seq.s32 @!p0 s5, $0x0  }
0x1f: {  	s9 =	smul.u32 $0xF7A, s1;
	s8 =	simm.s32 @!p0 $0x1BF5;
	p2 =	por !p2, p0  }
0x20: {  	[sflag:s8] =	ssyncset.s32 @!p0 $0xFFFFF086;
	s6 =	sadd.s32 @!p0 s3, s7;
	s7 =	simm.s32 @!p0 $0x108  }
0x21: {  	s3 =	sadd.s32 s3, s9;
	s6 =	sadd.s32 @!p0 $0x88, s6;
	s7 =	simm.s32 @p2 $0x1082  }
0x22: {  	[simem:s7], [sflag:s8] =	dma.local @!p0 [hbm:s6], $0xF7A  }
0x23: {  	s9 =	sor.u32 $0xD0000000, s2;
	s6 =	simm.s32 $0x108;
	_ =	swait.ge @!p0 [sflag:s8], $0x0  }
0x24: {  	s3 =	sadd.s32 $0x88, s3;
	s6 =	simm.s32 @!p1 $0x1082;
	[sflag:s4] =	ssyncset.s32 $0xFFFFF086  }
0x25: {  	[simem:s6], [sflag:s4] =	dma.local [hbm:s3], $0xF7A  }
0x26: {  	[smem:$0x3F9A] =	sst s1;
	(tag) =	ssettag s2;
	_ =	strace s9  }
0x27: {  	s1 =	sld [smem:$0x3FAA]  }
0x28: {  	s2 =	sld [smem:$0x3FAB]  }
0x29: {  	s4 =	sld [smem:$0x3FAD]  }
0x2a: {  	p0 =	seq.s32 s5, $0x0;
	s5 =	sld [smem:$0x3FAE]  }
0x2b: {  	s6 =	sld [smem:$0x3FAF]  }
0x2c: {  	s7 =	sld [smem:$0x3FB0]  }
0x2d: {  	s3 =	simm.s32 $0x108;
	s8 =	sld [smem:$0x3FB1]  }
0x2e: {  	s3 =	simm.s32 @!p0 $0x1082;
	s9 =	sld [smem:$0x3FB2]  }
0x2f: {  	lr =	sadd.s32 s0, s3;
	s0 =	sld [smem:$0x3FA9]  }
0x30: {  	s3 =	sld [smem:$0x3FAC]  }
0x31: {  	[smem:$0x3FB5] =	sst s10  }
0x32: {  	s10 =	sld [smem:$0x3FB3];
	_ =	sdelay $0x3  }
0x33: {  	p0 =	seq.s32 s10, $0x1;
	s10 =	sld [smem:$0x3FB5];
	_ =	sdelay $0x3  }
0x34: {  	[smem:$0x3FB5] =	sst s10  }
0x35: {  	s10 =	sld [smem:$0x3FB4];
	_ =	sdelay $0x3  }
0x36: {  	p1 =	seq.s32 s10, $0x1;
	s10 =	sld [smem:$0x3FB5];
	_ =	sdelay $0x3  }
0x37: {  	[smem:$0x3FB5] =	sst s10  }
0x38: {  	s10 =	sld [smem:$0x3FB6]  }
0x39: {  	_ = 	snop;
	(pc) =	sbr.ind lr, $3  }
0x3a: {  	_ = 	snop  }
0x3b: {  	_ = 	snop  }
0x3c: {  	p2 =	seq.s32 s10, $0x1;
	s10 =	sld [smem:$0x3FB5]  }
0x3d: {  	_ =	shalt  }
0x3e: {  	_ =	shalt  }
0x3f: {  	_ =	shalt  }
0x40: {  	_ =	shalt  }
0x41: {  	_ =	shalt  }
0x42: {  	_ =	shalt  }
0x43: {  	_ =	shalt  }
0x44: {  	_ =	shalt  }
0x45: {  	_ =	shalt  }
0x46: {  	_ =	shalt  }
0x47: {  	_ =	shalt  }
0x48: {  	_ =	shalt  }
0x49: {  	_ =	shalt  }
0x4a: {  	_ =	shalt  }
0x4b: {  	_ =	shalt  }
0x4c: {  	_ =	shalt  }
0x4d: {  	_ =	shalt  }
0x4e: {  	_ =	shalt  }
0x4f: {  	_ =	shalt  }
0x50: {  	_ =	shalt  }
0x51: {  	_ =	shalt  }
0x52: {  	_ =	shalt  }
0x53: {  	_ =	shalt  }
0x54: {  	_ =	shalt  }
0x55: {  	_ =	shalt  }
0x56: {  	_ =	shalt  }
0x57: {  	_ =	shalt  }
0x58: {  	_ =	shalt  }
0x59: {  	_ =	shalt  }
0x5a: {  	_ =	shalt  }
0x5b: {  	_ =	shalt  }
0x5c: {  	_ =	shalt  }
0x5d: {  	_ =	shalt  }
0x5e: {  	_ =	shalt  }
0x5f: {  	_ =	shalt  }
0x60: {  	_ =	shalt  }
0x61: {  	_ =	shalt  }
0x62: {  	_ =	shalt  }
0x63: {  	_ =	shalt  }
0x64: {  	_ =	shalt  }
0x65: {  	_ =	shalt  }
0x66: {  	_ =	shalt  }
0x67: {  	_ =	shalt  }
0x68: {  	_ =	shalt  }
0x69: {  	_ =	shalt  }
0x6a: {  	_ =	shalt  }
0x6b: {  	_ =	shalt  }
0x6c: {  	_ =	shalt  }
0x6d: {  	_ =	shalt  }
0x6e: {  	_ =	shalt  }
0x6f: {  	_ =	shalt  }
0x70: {  	_ =	shalt  }
0x71: {  	_ =	shalt  }
0x72: {  	_ =	shalt  }
0x73: {  	_ =	shalt  }
0x74: {  	_ =	shalt  }
0x75: {  	_ =	shalt  }
0x76: {  	_ =	shalt  }
0x77: {  	_ =	shalt  }
0x78: {  	_ =	shalt  }
0x79: {  	_ =	shalt  }
0x7a: {  	_ =	shalt  }
0x7b: {  	_ =	shalt  }
0x7c: {  	_ =	shalt  }
0x7d: {  	_ =	shalt  }
0x7e: {  	_ =	shalt  }
0x7f: {  	_ =	shalt  }
0x80: {  	_ =	shalt  }
0x81: {  	_ =	shalt  }
0x82: {  	_ =	shalt  }
0x83: {  	_ =	shalt  }
0x84: {  	_ =	shalt  }
0x85: {  	_ =	shalt  }
0x86: {  	_ =	shalt  }
0x87: {  	_ =	shalt  }
.Lfunc_end0:
.L_simem_size_0:
called_computation_lowered:
.L_overlay_start_0:
0x88: {  	s2 =	sld [smem:$0x3FD9]  }
0x89: {  	s3 =	sld [smem:$0x3FFE];
	_ =	sdelay $0x1  }
0x8a: {  	s1 =	srdreg.scid  }
0x8b: {  	s0 =	sand.u32 $0x1, s1  }
0x8c: {  	s14 =	sshll.u32 s0, $0xA;
	s2 =	sadd.s32 s3, s2  }
0x8d: {  	s2 =	sadd.s32 s2, s14  }
0x8e: {  	[smem:$0x3FC1] =	sst s2  }
0x8f: {  	_ = 	snop  }
0x90: {  	s2 =	sld [smem:$0x3FD0];
	_ =	sdelay $0x2  }
0x91: {  	s4 =	simm.s32 $0xA;
	s5 =	simm.s32 $0x10;
	s15 =	sld [smem:$0x3FC8]  }
0x92: {  	[smem:s5], [sflag:s4] =	dma.local [hbm:s2], $0x1  }
0x93: {  	_ =	swait.eq [sflag:s4], $0x1  }
0x94: {  	[sflag:s4] =	ssyncset.done $0x0  }
0x95: {  	[sflag:s4] =	ssyncadd.s32 $0xFFFFFFFF  }
0x96: {  	s16 =	sld [smem:$0x14];
	(tm) =	ssettm $0x1  }
0x97: {  	s17 =	sld [smem:$0x3FFB];
	_ =	sdelay $0x3  }
0x98: {  	_ =	strace s17  }
0x99: {  	s4 =	sld [smem:$0x3FFC];
	_ =	sdelay $0x3  }
0x9a: {  	_ =	strace s4  }
0x9b: {  	s4 =	sld [smem:$0x3FFD];
	_ =	sdelay $0x3  }
0x9c: {  	_ =	strace s4  }
0x9d: {  	_ =	strace $0x8FFFFFFF  }
0x9e: {  	s18 =	sld [smem:$0x3FDB];
	_ =	sdelay $0x1  }
0x9f: {  	s19 =	simm.s32 $_scs_section_size  }
0xa0: {  	s6 =	simm.s32 $_size__tile_overlayer_lowered;
	s7 =	simm.s32 $_tile_overlayer_lowered  }
0xa1: {  	s22 =	simm.s32 $0x1BFF;
	s21 =	sshll.u32 s7, $0x1;
	s4 =	sadd.s32 s19, s18  }
0xa2: {  	s8 =	simm.s32 $0x0;
	s20 =	sshll.u32 s6, $0x1;
	s6 =	sadd.s32 s21, s4  }
0xa3: {  	[timem:s8], [sflag:s22] =	dma.local [hbm:s6], s20  }
0xa4: {  	_ =	swait.ge [sflag:s22], s20  }
0xa5: {  	s5 =	ssub.s32 $0x0, s20;
	[sflag:s22] =	ssyncset.done $0x0  }
0xa6: {  	[sflag:s22] =	ssyncadd.s32 s5;
	_ =	sdelay $0x1  }
0xa7: {  	s23 =	simm.s32 $0x1B8B  }
0xa8: {  	_ =	swait.ge [sflag:s23], $0x1  }
0xa9: {  	[sflag:s23] =	ssyncset.done $0x0  }
0xaa: {  	s25 =	simm.s32 $0x1B8E;
	s24 =	sld [smem:$0x3FFE];
	[sflag:s23] =	ssyncadd.s32 $0xFFFFFFFF  }
0xab: {  	s26 =	simm.s32 $execute0_lowered;
	[smem:$0x3FD2] =	sst s25  }
0xac: {  	s6 =	sshll.u32 s26, $0x1;
	_ =	strace $0x80000046;
	[dreg:$0x1] =	wrdreg $0xFFFFFFFF  }
0xad: {  	s28 =	simm.s32 $_size_execute0_lowered;
	s4 =	sadd.s32 s4, s6;
	[dreg:$0x0] =	wrdreg $0x0  }
0xae: {  	s6 =	sshll.u32 s28, $0x1;
	[dreg:$0x2] =	wrdreg s4  }
0xaf: {  	[dreg:$0x3] =	wrdreg s6  }
0xb0: {  	[dreg:$0x4] =	wrdreg $0xC0  }
0xb1: {  	_ =	task [dreg:s8], $0x5FFFF  }
0xb2: {  	[dreg:$0x1] =	wrdreg $0xFFFFFFFF  }
0xb3: {  	[dreg:$0x0] =	wrdreg $0x60  }
0xb4: {  	[dreg:$0x2] =	wrdreg s16  }
0xb5: {  	[dreg:$0x3] =	wrdreg s24  }
0xb6: {  	[dreg:$0x4] =	wrdreg s15  }
0xb7: {  	[dreg:$0x5] =	wrdreg $0x9  }
0xb8: {  	_ =	task.clear_ibuf [dreg:s8], $0x6FFFF;
	_ =	strace $0x90000046  }
0xb9: {  	s29 =	simm.s32 $0x9;
	_ =	strace $0x80000048  }
0xba: {  	_ =	swait.ge [sflag:s29], $0x1  }
0xbb: {  	[sflag:s29] =	ssyncadd.s32 $0xFFFFFFFF  }
0xbc: {  	_ =	strace $0x90000048  }
0xbd: {  	_ =	sfence  }
0xbe: {  	s30 =	sld [smem:$0x0];
	_ =	sdelay $0x2  }
0xbf: {  	s31 =	sshll.u32 s1, $0xD;
	s1 =	sshrl.u32 s1, $0x2  }
0xc0: {  	s3 =	sand.u32 $0x4000, s31;
	s1 =	sadd.s32 s1, s30  }
0xc1: {  	s0 =	sor.u32 s3, s0;
	s1 =	sshll.u32 s1, $0x11  }
0xc2: {  	s0 =	sor.u32 s1, s0  }
0xc3: {  	s0 =	sadd.s32 $0x8F2B, s0  }
0xc4: {  	[sflag:s0] =	ssyncadd.remote.s32 $0x1  }
0xc5: {  	_ =	sfence.sel $0xFFFF  }
0xc6: {  	[dreg:$0x0] =	wrdreg $0xFFFFFFFF;
	(pc) =	sbr.abs _section_cstart, $3  }
0xc7: {  	[dreg:$0x1] =	wrdreg $0xFFFFFFFF  }
0xc8: {  	_ =	task.clear_ibuf [dreg:s8], $0x2FFFF;
	_ =	strace $0x9FFFFFFF  }
0xc9: {  	(tm) =	ssettm $0x7FFFFFFF  }
tec
execute0_lowered:
.L_overlay_start_1:
0x0: {  	(tag) =	ssettag $0x1  }
0x1: {  	s1 =	rddreg [dreg:$0x0]  }
0x2: {  	s0 =	rddreg [dreg:$0x1]  }
0x3: {  	s2 =	rddreg [dreg:$0x2];
	s3 =	simm.s32 $0x0;
	s4 =	srdreg.scid  }
0x4: {  	s8 =	stileid.u32;
	s16 =	simm.s32 $0x3;
	s17 =	simm.s32 $0x80  }
0x5: {  	s18 =	simm.s32 $0x1080;
	s19 =	simm.s32 $0x2080;
	s20 =	simm.s32 $0x3080  }
0x6: {  	s21 =	simm.s32 $0x1;
	s22 =	simm.s32 $0x4080;
	s23 =	simm.s32 $0x4  }
0x7: {  	s24 =	simm.s32 $0x2;
	s25 =	simm.s32 $0x4880;
	s26 =	simm.s32 $0x0  }
0x8: {  	[smem:$0x7FF] =	sst s3;
	s4 =	sand.u32 $0x1, s4;
	s5 =	sadd.s32 $0x20800, s0  }
0x9: {  	s6 =	sadd.s32 $0x11200, s0;
	s9 =	sadd.s32 $0x2FE00, s0;
	s7 =	sshll.u32 s4, $0x4  }
.Ltmp0:
0xa: {  	s4 =	ssub.s32 $0x2, s4;
	s7 =	sor.u32 s8, s7;
	(pc) =	sbr.rel .LBB2_1-.Ltmp0, $4  }
0xb: {  	_ =	strace $0x80000047;
	s31 =	sshrl.u32 s4, $0x1;
	s14 =	smul.u32 $0xFA, s7  }
0xc: {  	s8 =	sadd.s32 $0x1C00, s0;
	s10 =	ssub.s32 $0x119, s7;
	s0 =	ssub.s32 s4, s31  }
0xd: {  	s10 =	sshrl.u32 s10, $0x5;
	s15 =	smax.u32 s0, $0x1;
	s11 =	sadd.s32 s5, s14  }
0xe: {  	v0 =	vimm.f32 $0.0e+00;
	s12 =	sadd.s32 s6, s14;
	s13 =	sadd.s32 s8, s14;
	s14 =	sadd.s32 s2, s14  }
.LBB2_9:
0xf: {  	s26 =	sadd.s32 $0x1, s26  }
0x10: {  	p0 =	sne.s32 s26, s15  }
.Ltmp1:
0x11: {  	_ = 	snop;
	(pc) =	sbr.rel @!p0 .LBB2_10-.Ltmp1, $1  }
0x12: {  	_ =	sdelay $0x3  }
.LBB2_1:
0x13: {  	[tilespmem:s3], [sflag:$0x3] =	stream.linear.gather [hbm4b:s1+s3], $0x80, $0x38;
	[tilespmem:$0x5080] =	vst v63  }
0x14: {  	_ =	swait.ge [sflag:s16], $0x80  }
0x15: {  	[sflag:s16] =	ssyncset.done $0x0  }
0x16: {  	[sflag:s16] =	ssyncadd.s32 $0xFFFFFF80  }
0x17: {  	[tilespmem:s17], [sflag:$0x1] =	stream.linear.gather [hbm4b:s11+s3], $0x7D0, $0x38;
	[tilespmem:$0x5080] =	vst v63  }
0x18: {  	_ = 	snop  }
0x19: {  	[tilespmem:s18], [sflag:$0x1] =	stream.linear.gather [hbm4b:s12+s3], $0x7D0, $0x38;
	[tilespmem:$0x5080] =	vst v63  }
.Ltmp2:
0x1a: {  	_ = 	snop;
	(pc) =	sbr.rel .LBB2_2-.Ltmp2, $4  }
0x1b: {  	_ = 	snop  }
0x1c: {  	[tilespmem:s19], [sflag:$0x1] =	stream.linear.gather [hbm4b:s13+s3], $0x7D0, $0x38;
	[tilespmem:$0x5080] =	vst v63  }
0x1d: {  	s28 =	simm.s32 $0x0  }
0x1e: {  	[tilespmem:s20], [sflag:$0x1] =	stream.linear.gather [hbm4b:s14+s3], $0x7D0, $0x38;
	[tilespmem:$0x5080] =	vst v63  }
.LBB2_8:
0x1f: {  	s28 =	sadd.s32 $0x1, s28  }
0x20: {  	p0 =	sne.s32 s28, $0x4  }
.Ltmp3:
0x21: {  	_ = 	snop;
	(pc) =	sbr.rel @!p0 .LBB2_9-.Ltmp3, $1  }
0x22: {  	_ =	sdelay $0x3  }
.LBB2_2:
0x23: {  	s29 =	sshllo.u32 s28, $0x1  }
0x24: {  	p0 =	sge.u32 s29, s10  }
0x25: {  	s0 =	sshll.u32 @!p0 s29, $0x5  }
0x26: {  	s0 =	sor.u32 @!p0 s7, s0  }
0x27: {  	s0 =	smul.u32 @!p0 $0xFA, s0;
	_ =	sdelay $0x1  }
0x28: {  	s30 =	simm.s32 @!p0 $0x0;
	s31 =	simm.s32 @!p0 $0x880;
	s4 =	sadd.s32 @!p0 s5, s0  }
0x29: {  	[tilespmem:s31], [sflag:$0x2] =	stream.linear.gather @!p0 [hbm4b:s4+s30], $0x7D0, $0x38;
	[tilespmem:$0x5080] =	vst v63  }
0x2a: {  	s4 =	sadd.s32 @!p0 s6, s0;
	s31 =	simm.s32 @!p0 $0x1880  }
0x2b: {  	[tilespmem:s31], [sflag:$0x2] =	stream.linear.gather @!p0 [hbm4b:s4+s30], $0x7D0, $0x38;
	[tilespmem:$0x5080] =	vst v63  }
0x2c: {  	s4 =	sadd.s32 @!p0 s8, s0;
	s31 =	simm.s32 @!p0 $0x2880  }
0x2d: {  	[tilespmem:s31], [sflag:$0x2] =	stream.linear.gather @!p0 [hbm4b:s4+s30], $0x7D0, $0x38;
	[tilespmem:$0x5080] =	vst v63  }
0x2e: {  	s0 =	sadd.s32 @!p0 s2, s0;
	s4 =	simm.s32 @!p0 $0x3880  }
0x2f: {  	[tilespmem:s4], [sflag:$0x2] =	stream.linear.gather @!p0 [hbm4b:s0+s30], $0x7D0, $0x38;
	[tilespmem:$0x5080] =	vst v63  }
0x30: {  	_ =	swait.ge [sflag:s21], $0x7D0  }
0x31: {  	[sflag:s21] =	ssyncset.done $0x0  }
0x32: {  	[sflag:s21] =	ssyncadd.s32 $0xFFFFF830  }
0x33: {  	_ =	swait.ge [sflag:s21], $0x7D0  }
0x34: {  	[sflag:s21] =	ssyncset.done $0x0  }
0x35: {  	[sflag:s21] =	ssyncadd.s32 $0xFFFFF830  }
0x36: {  	_ =	swait.ge [sflag:s21], $0x7D0  }
0x37: {  	[sflag:s21] =	ssyncset.done $0x0  }
0x38: {  	[sflag:s21] =	ssyncadd.s32 $0xFFFFF830  }
0x39: {  	_ =	swait.ge [sflag:s21], $0x7D0  }
0x3a: {  	[sflag:s21] =	ssyncset.done $0x0  }
0x3b: {  	s31 =	simm.s32 $0x0;
	[sflag:s21] =	ssyncadd.s32 $0xFFFFF830  }
0x3c: {  	v1 =	vld [tilespmem:s31+$0x3080];
	_ =	sdelay $0x4  }
0x3d: {  	v1 =	vshll.u32 v1, $0x4  }
0x3e: {  	v2 =	vor.u32 $0x9, v1  }
0x3f: {  	v4 =	vld [tilespmem:s31+$0x2080];
	v3 =	vor.u32 $0x1, v1  }
0x40: {  	v5 =	vld [tilespmem:s31+$0x80];
	v6 =	vor.u32 $0x5, v1  }
0x41: {  	v7 =	vld [tilespmem:s31+$0x1080];
	v8 =	vor.u32 $0x4, v1  }
0x42: {  	v9 =	vor.u32 $0x2, v1;
	v11 =	vld.idx.msk [tilespmem:v1+s3+$0x0], $0xffff  }
0x43: {  	v10 =	vor.u32 $0x6, v1;
	v2 =	vld.idx.msk [tilespmem:v2+s3+$0x0], $0xffff  }
0x44: {  	v12 =	vor.u32 $0x8, v1;
	v3 =	vld.idx.msk [tilespmem:v3+s3+$0x0], $0xffff  }
0x45: {  	v13 =	vor.u32 $0xA, v1;
	v6 =	vld.idx.msk [tilespmem:v6+s3+$0x0], $0xffff  }
0x46: {  	v14 =	vor.u32 $0x3, v1;
	v8 =	vld.idx.msk [tilespmem:v8+s3+$0x0], $0xffff  }
0x47: {  	v15 =	vor.u32 $0x7, v1;
	v9 =	vld.idx.msk [tilespmem:v9+s3+$0x0], $0xffff  }
0x48: {  	v10 =	vld.idx.msk [tilespmem:v10+s3+$0x0], $0xffff  }
0x49: {  	v12 =	vld.idx.msk [tilespmem:v12+s3+$0x0], $0xffff  }
0x4a: {  	v1 =	vor.u32 $0xB, v1;
	v13 =	vld.idx.msk [tilespmem:v13+s3+$0x0], $0xffff;
	v11 =	vmul.f32 v11, v5;
	v3 =	vmul.f32 v3, v7  }
0x4b: {  	v14 =	vld.idx.msk [tilespmem:v14+s3+$0x0], $0xffff;
	v8 =	vmul.f32 v8, v5;
	v6 =	vmul.f32 v6, v7  }
0x4c: {  	v15 =	vld.idx.msk [tilespmem:v15+s3+$0x0], $0xffff;
	v9 =	vmul.f32 v9, v4  }
0x4d: {  	v63 =	vmul.f32 v10, v4;
	v3 =	vadd.f32 v3, v11;
	v6 =	vadd.f32 v6, v8  }
0x4e: {  	v5 =	vmul.f32 v12, v5;
	v2 =	vmul.f32 v2, v7  }
0x4f: {  	v7 =	vld.idx.msk [tilespmem:v1+s3+$0x0], $0xffff;
	v3 =	vadd.f32 v9, v3;
	v6 =	vadd.f32 v63, v6  }
0x50: {  	v1 =	vadd.f32 v2, v5;
	v2 =	vmul.f32 v13, v4  }
0x51: {  	s0 =	simm.s32 $0x10;
	v3 =	vadd.f32 v3, v14;
	v4 =	vadd.f32 v6, v15  }
0x52: {  	v5 =	vadd.f32 v2, v1;
	v2 =	vld [tilespmem:s0+$0x3080]  }
0x53: {  	v3 =	vmul.f32 $1.600000000e+01, v3;
	v1 =	vmul.f32 $1.600000000e+01, v4  }
0x54: {  	v4 =	vadd.f32 v5, v7  }
0x55: {  	s30 =	sshll.u32 s28, $0x1;
	s4 =	simm.s32 $0x80;
	vm0 =	vge.f32 v3, $0.0e+00;
	vm1 =	vge.f32 v1, $0.0e+00  }
.LBB2_3:
0x56: {  	p1 =	sne.s32 s4, $0x1F00;
	v4 =	vmul.f32 $1.600000000e+01, v4;
	vm2 =	vlt.f32 v3, $9.600000000e+01;
	vm0 =	vmand vm0, vm1  }
0x57: {  	vm1 =	vlt.f32 v1, $9.600000000e+01;
	v2 =	vshll.u32 v2, $0x4;
	vm0 =	vmand vm0, vm2  }
0x58: {  	v1 =	vor.u32 $0x9, v2;
	vm0 =	vmand vm1, vm0;
	vm1 =	vge.f32 v4, $0.0e+00  }
0x59: {  	v3 =	vor.u32 $0x1, v2;
	vm0 =	vmand vm0, vm1;
	vm1 =	vlt.f32 v4, $4.800000000e+01  }
0x5a: {  	v4 =	vld [tilespmem:s0+$0x2080];
	vm0 =	vmand vm1, vm0  }
0x5b: {  	v6 =	vor.u32 $0x5, v2;
	v5 =	vld [tilespmem:s0+$0x80];
	v7 =	vsel vm0, $0x3F800000, v0  }
0x5c: {  	v9 =	vor.u32 $0x4, v2;
	v8 =	vld [tilespmem:s0+$0x1080];
	[tilespmem:s31+$0x4080] =	vst v7;
	s31 =	smov.u32 s0  }
0x5d: {  	v7 =	vor.u32 $0x2, v2;
	v1 =	vld.idx.msk [tilespmem:v1+s3+$0x0], $0xffff  }
0x5e: {  	v10 =	vor.u32 $0x6, v2;
	v3 =	vld.idx.msk [tilespmem:v3+s3+$0x0], $0xffff  }
0x5f: {  	v12 =	vor.u32 $0x8, v2;
	v11 =	vld.idx.msk [tilespmem:v2+s3+$0x0], $0xffff  }
0x60: {  	v13 =	vor.u32 $0xA, v2;
	v6 =	vld.idx.msk [tilespmem:v6+s3+$0x0], $0xffff  }
0x61: {  	v14 =	vor.u32 $0x3, v2;
	v9 =	vld.idx.msk [tilespmem:v9+s3+$0x0], $0xffff  }
0x62: {  	v15 =	vor.u32 $0x7, v2;
	v7 =	vld.idx.msk [tilespmem:v7+s3+$0x0], $0xffff  }
0x63: {  	v10 =	vld.idx.msk [tilespmem:v10+s3+$0x0], $0xffff  }
0x64: {  	v12 =	vld.idx.msk [tilespmem:v12+s3+$0x0], $0xffff  }
0x65: {  	v2 =	vor.u32 $0xB, v2;
	v13 =	vld.idx.msk [tilespmem:v13+s3+$0x0], $0xffff  }
0x66: {  	v3 =	vmul.f32 v3, v8;
	v11 =	vmul.f32 v11, v5;
	v14 =	vld.idx.msk [tilespmem:v14+s3+$0x0], $0xffff  }
0x67: {  	v6 =	vmul.f32 v6, v8;
	v9 =	vmul.f32 v9, v5;
	v15 =	vld.idx.msk [tilespmem:v15+s3+$0x0], $0xffff  }
0x68: {  	v7 =	vmul.f32 v7, v4  }
0x69: {  	v3 =	vadd.f32 v3, v11;
	v6 =	vadd.f32 v6, v9;
	v9 =	vmul.f32 v10, v4  }
0x6a: {  	v1 =	vmul.f32 v1, v8;
	v10 =	vld.idx.msk [tilespmem:v2+s3+$0x0], $0xffff;
	v2 =	vmul.f32 v12, v5  }
0x6b: {  	v3 =	vadd.f32 v7, v3;
	v5 =	vadd.f32 v9, v6  }
0x6c: {  	v4 =	vmul.f32 v13, v4;
	v1 =	vadd.f32 v1, v2  }
.Ltmp4:
0x6d: {  	s0 =	sshra.s32 s4, $0x2;
	v3 =	vadd.f32 v3, v14;
	v5 =	vadd.f32 v5, v15;
	(pc) =	sbr.rel @p1 .LBB2_3-.Ltmp4, $4  }
0x6e: {  	v2 =	vld [tilespmem:s0+$0x3080];
	v4 =	vadd.f32 v4, v1  }
0x6f: {  	v3 =	vmul.f32 $1.600000000e+01, v3;
	v1 =	vmul.f32 $1.600000000e+01, v5  }
0x70: {  	v4 =	vadd.f32 v4, v10  }
0x71: {  	s4 =	sadd.s32 $0x40, s4;
	vm0 =	vge.f32 v3, $0.0e+00;
	vm1 =	vge.f32 v1, $0.0e+00  }
0x72: {  	v4 =	vmul.f32 $1.600000000e+01, v4;
	vm2 =	vlt.f32 v3, $9.600000000e+01;
	vm0 =	vmand vm0, vm1  }
0x73: {  	vm7 =	vlt.f32 v1, $9.600000000e+01;
	v2 =	vshll.u32 v2, $0x4;
	vm0 =	vmand vm0, vm2  }
0x74: {  	v1 =	vor.u32 $0x9, v2;
	vm0 =	vmand vm7, vm0;
	vm8 =	vge.f32 v4, $0.0e+00  }
0x75: {  	v3 =	vor.u32 $0x1, v2;
	vm9 =	vlt.f32 v4, $4.800000000e+01;
	vm0 =	vmand vm0, vm8  }
0x76: {  	v59 =	vld [tilespmem:s0+$0x2080];
	vm0 =	vmand vm9, vm0  }
0x77: {  	v5 =	vld [tilespmem:s0+$0x80];
	v6 =	vor.u32 $0x5, v2;
	v7 =	vsel vm0, $0x3F800000, v0  }
0x78: {  	v8 =	vld [tilespmem:s0+$0x1080];
	v9 =	vor.u32 $0x4, v2;
	[tilespmem:s31+$0x4080] =	vst v7  }
0x79: {  	v60 =	vor.u32 $0x2, v2;
	v1 =	vld.idx.msk [tilespmem:v1+s3+$0x0], $0xffff  }
0x7a: {  	v10 =	vor.u32 $0x6, v2;
	v3 =	vld.idx.msk [tilespmem:v3+s3+$0x0], $0xffff  }
0x7b: {  	v12 =	vor.u32 $0x8, v2;
	v11 =	vld.idx.msk [tilespmem:v2+s3+$0x0], $0xffff  }
0x7c: {  	v13 =	vor.u32 $0xA, v2;
	v6 =	vld.idx.msk [tilespmem:v6+s3+$0x0], $0xffff  }
0x7d: {  	v14 =	vor.u32 $0x3, v2;
	v9 =	vld.idx.msk [tilespmem:v9+s3+$0x0], $0xffff  }
0x7e: {  	v15 =	vor.u32 $0x7, v2;
	v7 =	vld.idx.msk [tilespmem:v60+s3+$0x0], $0xffff  }
0x7f: {  	v10 =	vld.idx.msk [tilespmem:v10+s3+$0x0], $0xffff  }
0x80: {  	v12 =	vld.idx.msk [tilespmem:v12+s3+$0x0], $0xffff  }
0x81: {  	v13 =	vld.idx.msk [tilespmem:v13+s3+$0x0], $0xffff;
	v2 =	vor.u32 $0xB, v2;
	v11 =	vmul.f32 v11, v5;
	v3 =	vmul.f32 v3, v8  }
0x82: {  	v14 =	vld.idx.msk [tilespmem:v14+s3+$0x0], $0xffff;
	v9 =	vmul.f32 v9, v5;
	v6 =	vmul.f32 v6, v8  }
0x83: {  	v15 =	vld.idx.msk [tilespmem:v15+s3+$0x0], $0xffff;
	v7 =	vmul.f32 v7, v59  }
0x84: {  	v61 =	vmul.f32 v10, v59;
	v3 =	vadd.f32 v3, v11;
	v6 =	vadd.f32 v6, v9  }
0x85: {  	v5 =	vmul.f32 v12, v5;
	v1 =	vmul.f32 v1, v8  }
0x86: {  	v2 =	vld.idx.msk [tilespmem:v2+s3+$0x0], $0xffff;
	v3 =	vadd.f32 v7, v3;
	v6 =	vadd.f32 v61, v6  }
0x87: {  	v4 =	vmul.f32 v13, v59;
	v1 =	vadd.f32 v1, v5  }
0x88: {  	v3 =	vadd.f32 v3, v14;
	v62 =	vadd.f32 v6, v15  }
0x89: {  	v1 =	vadd.f32 v4, v1  }
0x8a: {  	v3 =	vmul.f32 $1.600000000e+01, v3;
	v63 =	vmul.f32 $1.600000000e+01, v62  }
0x8b: {  	v1 =	vadd.f32 v1, v2  }
0x8c: {  	vm10 =	vge.f32 v3, $0.0e+00;
	vm11 =	vge.f32 v63, $0.0e+00  }
0x8d: {  	v1 =	vmul.f32 $1.600000000e+01, v1;
	vm12 =	vlt.f32 v3, $9.600000000e+01;
	vm0 =	vmand vm10, vm11  }
0x8e: {  	vm13 =	vlt.f32 v63, $9.600000000e+01;
	vm0 =	vmand vm0, vm12  }
0x8f: {  	s4 =	sshll.u32 s28, $0x6;
	vm14 =	vge.f32 v1, $0.0e+00;
	vm0 =	vmand vm13, vm0  }
0x90: {  	s4 =	sor.u32 s7, s4;
	vm15 =	vlt.f32 v1, $4.800000000e+01;
	vm0 =	vmand vm0, vm14  }
0x91: {  	s4 =	smul.u32 $0xFA, s4;
	vm0 =	vmand vm15, vm0  }
0x92: {  	v1 =	vsel vm0, $0x3F800000, v0  }
.Ltmp5:
0x93: {  	s31 =	sadd.s32 s9, s4;
	[tilespmem:s0+$0x4080] =	vst v1;
	(pc) =	sbr.rel @p0 .LBB2_8-.Ltmp5, $4  }
0x94: {  	[hbm4b:s31+s3] =	stream.linear.scatter [tilespmem:s22], [sflag:$0x4], $0x7D0, $0x38;
	[tilespmem:$0x5080] =	vst v63  }
0x95: {  	_ =	swait.ge [sflag:s23], $0x7D0  }
0x96: {  	[sflag:s23] =	ssyncset.done $0x0  }
0x97: {  	[sflag:s23] =	ssyncadd.s32 $0xFFFFF830  }
0x98: {  	s0 =	sadd.s32 $0x2, s30  }
0x99: {  	p0 =	sge.u32 s0, s10  }
0x9a: {  	s0 =	sshll.u32 @!p0 s0, $0x5  }
0x9b: {  	s0 =	sor.u32 @!p0 s7, s0  }
0x9c: {  	s0 =	smul.u32 @!p0 $0xFA, s0;
	_ =	sdelay $0x1  }
0x9d: {  	s30 =	simm.s32 @!p0 $0x0;
	s31 =	simm.s32 @!p0 $0x80;
	s4 =	sadd.s32 @!p0 s5, s0  }
0x9e: {  	[tilespmem:s31], [sflag:$0x1] =	stream.linear.gather @!p0 [hbm4b:s4+s30], $0x7D0, $0x38;
	[tilespmem:$0x5080] =	vst v63  }
0x9f: {  	s4 =	sadd.s32 @!p0 s6, s0;
	s31 =	simm.s32 @!p0 $0x1080  }
0xa0: {  	[tilespmem:s31], [sflag:$0x1] =	stream.linear.gather @!p0 [hbm4b:s4+s30], $0x7D0, $0x38;
	[tilespmem:$0x5080] =	vst v63  }
0xa1: {  	s4 =	sadd.s32 @!p0 s8, s0;
	s31 =	simm.s32 @!p0 $0x2080  }
0xa2: {  	[tilespmem:s31], [sflag:$0x1] =	stream.linear.gather @!p0 [hbm4b:s4+s30], $0x7D0, $0x38;
	[tilespmem:$0x5080] =	vst v63  }
0xa3: {  	s0 =	sadd.s32 @!p0 s2, s0;
	s4 =	simm.s32 @!p0 $0x3080  }
0xa4: {  	[tilespmem:s4], [sflag:$0x1] =	stream.linear.gather @!p0 [hbm4b:s0+s30], $0x7D0, $0x38;
	[tilespmem:$0x5080] =	vst v63  }
0xa5: {  	_ =	swait.ge [sflag:s24], $0x7D0  }
0xa6: {  	[sflag:s24] =	ssyncset.done $0x0  }
0xa7: {  	[sflag:s24] =	ssyncadd.s32 $0xFFFFF830  }
0xa8: {  	_ =	swait.ge [sflag:s24], $0x7D0  }
0xa9: {  	[sflag:s24] =	ssyncset.done $0x0  }
0xaa: {  	[sflag:s24] =	ssyncadd.s32 $0xFFFFF830  }
0xab: {  	_ =	swait.ge [sflag:s24], $0x7D0  }
0xac: {  	[sflag:s24] =	ssyncset.done $0x0  }
0xad: {  	[sflag:s24] =	ssyncadd.s32 $0xFFFFF830  }
0xae: {  	_ =	swait.ge [sflag:s24], $0x7D0  }
0xaf: {  	[sflag:s24] =	ssyncset.done $0x0  }
0xb0: {  	s30 =	simm.s32 $0x0;
	[sflag:s24] =	ssyncadd.s32 $0xFFFFF830  }
0xb1: {  	v1 =	vld [tilespmem:s30+$0x3880];
	_ =	sdelay $0x4  }
0xb2: {  	v1 =	vshll.u32 v1, $0x4  }
0xb3: {  	v2 =	vor.u32 $0x9, v1  }
0xb4: {  	v4 =	vld [tilespmem:s30+$0x2880];
	v3 =	vor.u32 $0x1, v1  }
0xb5: {  	v5 =	vld [tilespmem:s30+$0x880];
	v6 =	vor.u32 $0x5, v1  }
0xb6: {  	v7 =	vld [tilespmem:s30+$0x1880];
	v8 =	vor.u32 $0x4, v1  }
0xb7: {  	v9 =	vor.u32 $0x2, v1;
	v11 =	vld.idx.msk [tilespmem:v1+s3+$0x0], $0xffff  }
0xb8: {  	v10 =	vor.u32 $0x6, v1;
	v2 =	vld.idx.msk [tilespmem:v2+s3+$0x0], $0xffff  }
0xb9: {  	v12 =	vor.u32 $0x8, v1;
	v3 =	vld.idx.msk [tilespmem:v3+s3+$0x0], $0xffff  }
0xba: {  	v13 =	vor.u32 $0xA, v1;
	v6 =	vld.idx.msk [tilespmem:v6+s3+$0x0], $0xffff  }
0xbb: {  	v14 =	vor.u32 $0x3, v1;
	v8 =	vld.idx.msk [tilespmem:v8+s3+$0x0], $0xffff  }
0xbc: {  	v15 =	vor.u32 $0x7, v1;
	v9 =	vld.idx.msk [tilespmem:v9+s3+$0x0], $0xffff  }
0xbd: {  	v10 =	vld.idx.msk [tilespmem:v10+s3+$0x0], $0xffff  }
0xbe: {  	v12 =	vld.idx.msk [tilespmem:v12+s3+$0x0], $0xffff  }
0xbf: {  	v1 =	vor.u32 $0xB, v1;
	v13 =	vld.idx.msk [tilespmem:v13+s3+$0x0], $0xffff;
	v11 =	vmul.f32 v11, v5;
	v3 =	vmul.f32 v3, v7  }
0xc0: {  	v14 =	vld.idx.msk [tilespmem:v14+s3+$0x0], $0xffff;
	v8 =	vmul.f32 v8, v5;
	v6 =	vmul.f32 v6, v7  }
0xc1: {  	v15 =	vld.idx.msk [tilespmem:v15+s3+$0x0], $0xffff;
	v9 =	vmul.f32 v9, v4  }
0xc2: {  	v63 =	vmul.f32 v10, v4;
	v3 =	vadd.f32 v3, v11;
	v6 =	vadd.f32 v6, v8  }
0xc3: {  	v5 =	vmul.f32 v12, v5;
	v2 =	vmul.f32 v2, v7  }
0xc4: {  	v7 =	vld.idx.msk [tilespmem:v1+s3+$0x0], $0xffff;
	v3 =	vadd.f32 v9, v3;
	v6 =	vadd.f32 v63, v6  }
0xc5: {  	v1 =	vadd.f32 v2, v5;
	v2 =	vmul.f32 v13, v4  }
0xc6: {  	s0 =	simm.s32 $0x10;
	v3 =	vadd.f32 v3, v14;
	v4 =	vadd.f32 v6, v15  }
0xc7: {  	v5 =	vadd.f32 v2, v1;
	v2 =	vld [tilespmem:s0+$0x3880]  }
0xc8: {  	v3 =	vmul.f32 $1.600000000e+01, v3;
	v1 =	vmul.f32 $1.600000000e+01, v4  }
0xc9: {  	v4 =	vadd.f32 v5, v7  }
0xca: {  	s4 =	simm.s32 $0x80;
	vm0 =	vge.f32 v3, $0.0e+00;
	vm1 =	vge.f32 v1, $0.0e+00  }
.LBB2_6:
0xcb: {  	p0 =	sne.s32 s4, $0x1F00;
	v4 =	vmul.f32 $1.600000000e+01, v4;
	vm2 =	vlt.f32 v3, $9.600000000e+01;
	vm0 =	vmand vm0, vm1  }
0xcc: {  	vm1 =	vlt.f32 v1, $9.600000000e+01;
	v2 =	vshll.u32 v2, $0x4;
	vm0 =	vmand vm0, vm2  }
0xcd: {  	v1 =	vor.u32 $0x9, v2;
	vm0 =	vmand vm1, vm0;
	vm1 =	vge.f32 v4, $0.0e+00  }
0xce: {  	v3 =	vor.u32 $0x1, v2;
	vm0 =	vmand vm0, vm1;
	vm1 =	vlt.f32 v4, $4.800000000e+01  }
0xcf: {  	v4 =	vld [tilespmem:s0+$0x2880];
	vm0 =	vmand vm1, vm0  }
0xd0: {  	v6 =	vor.u32 $0x5, v2;
	v5 =	vld [tilespmem:s0+$0x880];
	v7 =	vsel vm0, $0x3F800000, v0  }
0xd1: {  	v9 =	vor.u32 $0x4, v2;
	v8 =	vld [tilespmem:s0+$0x1880];
	[tilespmem:s30+$0x4880] =	vst v7;
	s30 =	smov.u32 s0  }
0xd2: {  	v7 =	vor.u32 $0x2, v2;
	v1 =	vld.idx.msk [tilespmem:v1+s3+$0x0], $0xffff  }
0xd3: {  	v10 =	vor.u32 $0x6, v2;
	v3 =	vld.idx.msk [tilespmem:v3+s3+$0x0], $0xffff  }
0xd4: {  	v12 =	vor.u32 $0x8, v2;
	v11 =	vld.idx.msk [tilespmem:v2+s3+$0x0], $0xffff  }
0xd5: {  	v13 =	vor.u32 $0xA, v2;
	v6 =	vld.idx.msk [tilespmem:v6+s3+$0x0], $0xffff  }
0xd6: {  	v14 =	vor.u32 $0x3, v2;
	v9 =	vld.idx.msk [tilespmem:v9+s3+$0x0], $0xffff  }
0xd7: {  	v15 =	vor.u32 $0x7, v2;
	v7 =	vld.idx.msk [tilespmem:v7+s3+$0x0], $0xffff  }
0xd8: {  	v10 =	vld.idx.msk [tilespmem:v10+s3+$0x0], $0xffff  }
0xd9: {  	v12 =	vld.idx.msk [tilespmem:v12+s3+$0x0], $0xffff  }
0xda: {  	v2 =	vor.u32 $0xB, v2;
	v13 =	vld.idx.msk [tilespmem:v13+s3+$0x0], $0xffff  }
0xdb: {  	v3 =	vmul.f32 v3, v8;
	v11 =	vmul.f32 v11, v5;
	v14 =	vld.idx.msk [tilespmem:v14+s3+$0x0], $0xffff  }
0xdc: {  	v6 =	vmul.f32 v6, v8;
	v9 =	vmul.f32 v9, v5;
	v15 =	vld.idx.msk [tilespmem:v15+s3+$0x0], $0xffff  }
0xdd: {  	v7 =	vmul.f32 v7, v4  }
0xde: {  	v3 =	vadd.f32 v3, v11;
	v6 =	vadd.f32 v6, v9;
	v9 =	vmul.f32 v10, v4  }
0xdf: {  	v1 =	vmul.f32 v1, v8;
	v10 =	vld.idx.msk [tilespmem:v2+s3+$0x0], $0xffff;
	v2 =	vmul.f32 v12, v5  }
0xe0: {  	v3 =	vadd.f32 v7, v3;
	v5 =	vadd.f32 v9, v6  }
0xe1: {  	v4 =	vmul.f32 v13, v4;
	v1 =	vadd.f32 v1, v2  }
.Ltmp6:
0xe2: {  	s0 =	sshra.s32 s4, $0x2;
	v3 =	vadd.f32 v3, v14;
	v5 =	vadd.f32 v5, v15;
	(pc) =	sbr.rel @p0 .LBB2_6-.Ltmp6, $4  }
0xe3: {  	v2 =	vld [tilespmem:s0+$0x3880];
	v4 =	vadd.f32 v4, v1  }
0xe4: {  	v3 =	vmul.f32 $1.600000000e+01, v3;
	v1 =	vmul.f32 $1.600000000e+01, v5  }
0xe5: {  	v4 =	vadd.f32 v4, v10  }
0xe6: {  	s4 =	sadd.s32 $0x40, s4;
	vm0 =	vge.f32 v3, $0.0e+00;
	vm1 =	vge.f32 v1, $0.0e+00  }
0xe7: {  	v4 =	vmul.f32 $1.600000000e+01, v4;
	vm2 =	vlt.f32 v3, $9.600000000e+01;
	vm0 =	vmand vm0, vm1  }
0xe8: {  	vm7 =	vlt.f32 v1, $9.600000000e+01;
	v2 =	vshll.u32 v2, $0x4;
	vm0 =	vmand vm0, vm2  }
0xe9: {  	v1 =	vor.u32 $0x9, v2;
	vm0 =	vmand vm7, vm0;
	vm8 =	vge.f32 v4, $0.0e+00  }
0xea: {  	v3 =	vor.u32 $0x1, v2;
	vm9 =	vlt.f32 v4, $4.800000000e+01;
	vm0 =	vmand vm0, vm8  }
0xeb: {  	v59 =	vld [tilespmem:s0+$0x2880];
	vm0 =	vmand vm9, vm0  }
0xec: {  	v5 =	vld [tilespmem:s0+$0x880];
	v6 =	vor.u32 $0x5, v2;
	v7 =	vsel vm0, $0x3F800000, v0  }
0xed: {  	v8 =	vld [tilespmem:s0+$0x1880];
	v9 =	vor.u32 $0x4, v2;
	[tilespmem:s30+$0x4880] =	vst v7  }
0xee: {  	v60 =	vor.u32 $0x2, v2;
	v1 =	vld.idx.msk [tilespmem:v1+s3+$0x0], $0xffff  }
0xef: {  	v10 =	vor.u32 $0x6, v2;
	v3 =	vld.idx.msk [tilespmem:v3+s3+$0x0], $0xffff  }
0xf0: {  	v12 =	vor.u32 $0x8, v2;
	v11 =	vld.idx.msk [tilespmem:v2+s3+$0x0], $0xffff  }
0xf1: {  	v13 =	vor.u32 $0xA, v2;
	v6 =	vld.idx.msk [tilespmem:v6+s3+$0x0], $0xffff  }
0xf2: {  	v14 =	vor.u32 $0x3, v2;
	v9 =	vld.idx.msk [tilespmem:v9+s3+$0x0], $0xffff  }
0xf3: {  	v15 =	vor.u32 $0x7, v2;
	v7 =	vld.idx.msk [tilespmem:v60+s3+$0x0], $0xffff  }
0xf4: {  	v10 =	vld.idx.msk [tilespmem:v10+s3+$0x0], $0xffff  }
0xf5: {  	v12 =	vld.idx.msk [tilespmem:v12+s3+$0x0], $0xffff  }
0xf6: {  	v13 =	vld.idx.msk [tilespmem:v13+s3+$0x0], $0xffff;
	v2 =	vor.u32 $0xB, v2;
	v11 =	vmul.f32 v11, v5;
	v3 =	vmul.f32 v3, v8  }
0xf7: {  	v14 =	vld.idx.msk [tilespmem:v14+s3+$0x0], $0xffff;
	v9 =	vmul.f32 v9, v5;
	v6 =	vmul.f32 v6, v8  }
0xf8: {  	v15 =	vld.idx.msk [tilespmem:v15+s3+$0x0], $0xffff;
	v7 =	vmul.f32 v7, v59  }
0xf9: {  	v61 =	vmul.f32 v10, v59;
	v3 =	vadd.f32 v3, v11;
	v6 =	vadd.f32 v6, v9  }
0xfa: {  	v5 =	vmul.f32 v12, v5;
	v1 =	vmul.f32 v1, v8  }
0xfb: {  	v2 =	vld.idx.msk [tilespmem:v2+s3+$0x0], $0xffff;
	v3 =	vadd.f32 v7, v3;
	v6 =	vadd.f32 v61, v6  }
0xfc: {  	v4 =	vmul.f32 v13, v59;
	v1 =	vadd.f32 v1, v5  }
0xfd: {  	v3 =	vadd.f32 v3, v14;
	v62 =	vadd.f32 v6, v15  }
0xfe: {  	v1 =	vadd.f32 v4, v1  }
0xff: {  	v3 =	vmul.f32 $1.600000000e+01, v3;
	v63 =	vmul.f32 $1.600000000e+01, v62  }
0x100: {  	v1 =	vadd.f32 v1, v2  }
0x101: {  	vm10 =	vge.f32 v3, $0.0e+00;
	vm11 =	vge.f32 v63, $0.0e+00  }
0x102: {  	v1 =	vmul.f32 $1.600000000e+01, v1;
	vm12 =	vlt.f32 v3, $9.600000000e+01;
	vm0 =	vmand vm10, vm11  }
0x103: {  	vm13 =	vlt.f32 v63, $9.600000000e+01;
	vm0 =	vmand vm0, vm12  }
0x104: {  	s4 =	sshll.u32 s29, $0x5;
	vm14 =	vge.f32 v1, $0.0e+00;
	vm0 =	vmand vm13, vm0  }
0x105: {  	s4 =	sor.u32 s7, s4;
	vm15 =	vlt.f32 v1, $4.800000000e+01;
	vm0 =	vmand vm0, vm14  }
0x106: {  	s4 =	smul.u32 $0xFA, s4;
	vm0 =	vmand vm15, vm0  }
0x107: {  	v1 =	vsel vm0, $0x3F800000, v0  }
.Ltmp7:
0x108: {  	s31 =	sadd.s32 s9, s4;
	[tilespmem:s0+$0x4880] =	vst v1;
	(pc) =	sbr.rel .LBB2_8-.Ltmp7, $4  }
0x109: {  	[hbm4b:s31+s3] =	stream.linear.scatter [tilespmem:s25], [sflag:$0x3], $0x7D0, $0x38;
	[tilespmem:$0x5080] =	vst v63  }
0x10a: {  	_ =	swait.ge [sflag:s16], $0x7D0  }
0x10b: {  	[sflag:s16] =	ssyncset.done $0x0  }
0x10c: {  	[sflag:s16] =	ssyncadd.s32 $0xFFFFF830  }
.LBB2_10:
0x10d: {  	_ =	sfence.sel $0x180000  }
0x10e: {  	[bflag:$0x0] =	sbarrier.arrive $0xFFFF  }
0x10f: {  	_ =	strace $0x90000047  }
0x110: {  	s0 =	stileid.u32;
	[bflag:$0x2] =	sbarrier.arrive $0xFFFF  }
0x111: {  	p0 =	sne.s32 s0, $0x0;
	s0 =	rddreg [dreg:$0x3]  }
0x112: {  	s0 =	sadd.s32 @!p0 $0x100000, s0  }
0x113: {  	[sflag:s0] =	ssyncadd.tile.s32 @!p0 $0x1;
	_ =	shalt  }
.Lfunc_end2:
_tile_overlayer_lowered:
.L_overlay_start_2:
0x114: {  	(tag) =	ssettag $0x2  }
0x115: {  	s0 =	rddreg [dreg:$0x0];
	s2 =	stileid.u32  }
0x116: {  	s1 =	rddreg [dreg:$0x1];
	p0 =	sne.s32 s2, $0x0  }
0x117: {  	s3 =	rddreg [dreg:$0x2];
	[bflag:$0x3] =	sbarrier.arrive $0xFFFF;
	s2 =	simm.s32 @!p0 $0x1C03  }
0x118: {  	[timem:s3], [sflag:s2] =	dma.local @!p0 [hbm:s0], s1  }
0x119: {  	s0 =	simm.s32 @!p0 $0x3  }
0x11a: {  	_ =	swait.ge @!p0 [sflag:s0], s1  }
0x11b: {  	s1 =	ssub.s32 @!p0 $0x0, s1;
	[sflag:s0] =	ssyncset.done @!p0 $0x0  }
0x11c: {  	[sflag:s0] =	ssyncadd.s32 @!p0 s1  }
0x11d: {  	[bflag:$0x3] =	sbarrier.arrive $0xFFFF  }
0x11e: {  	_ =	shalt  }

</sc_bundles>
